<compile_context>
chip_gen: v7x
topology: tpu7x:2x2x1
jax: 0.10.2.dev20260603
libtpu: 0.0.44.dev20260713+nightly
codegen_flags: <defaults>
</compile_context>

<pallas_src>
import jax
import jax.numpy as jnp
from jax import lax
from jax.experimental import pallas as pl
from jax.experimental.pallas import tpu as pltpu
from jax.experimental.pallas import tpu_sc as plsc

_INPUT_DIM = 4096
_HIDDEN = 16384
_K = 16
_B = 32
_HB = 512
_NB = _HIDDEN // _HB
_LANES = 16
_GRAN = 8
_TBL_ROWS_PER_I = _HIDDEN // _GRAN
_CHUNKS = _INPUT_DIM // _LANES


def _tc_body(x_ref, encw_ref, encb_ref,
             hsp_ref, jb_ref, vb_ref,
             h_ref, mask_ref, work_ref):
    i = pl.program_id(0)

    @pl.when(i < _NB)
    def _enc():
        hb = lax.dot_general(
            x_ref[...], encw_ref[...],
            (((1,), (1,)), ((), ())),
            preferred_element_type=jnp.float32)
        hb = jnp.maximum(hb + encb_ref[:, pl.ds(i * _HB, _HB)], 0.0)
        h_ref[:, pl.ds(i * _HB, _HB)] = hb

    @pl.when(i == _NB)
    def _topk():
        work_ref[...] = h_ref[...]
        mask_ref[...] = jnp.zeros_like(mask_ref)
        colid = lax.broadcasted_iota(jnp.int32, (_B, _HIDDEN), 1)
        tcol = lax.broadcasted_iota(jnp.int32, (_B, _K), 1)

        def it(t, carry):
            idxv, valv = carry
            w = work_ref[...]
            m = jnp.max(w, axis=1, keepdims=True)
            sel = w == m
            cand = jnp.where(sel, colid, _HIDDEN)
            amin = jnp.min(cand, axis=1, keepdims=True)
            first = colid == amin
            mask_ref[...] = jnp.where(first, 1.0, mask_ref[...])
            work_ref[...] = jnp.where(first, -jnp.inf, w)
            idxv = jnp.where(tcol == t, amin, idxv)
            valv = jnp.where(tcol == t, m, valv)
            return (idxv, valv)

        idxv0 = jnp.zeros((_B, _K), jnp.int32)
        valv0 = jnp.zeros((_B, _K), jnp.float32)
        idxv, valv = lax.fori_loop(0, _K, it, (idxv0, valv0))
        hsp_ref[...] = h_ref[...] * mask_ref[...]
        jb_ref[...] = jnp.broadcast_to(idxv[:, :, None], (_B, _K, _LANES))
        vb_ref[...] = jnp.broadcast_to(valv[:, :, None], (_B, _K, _LANES))


def _tc_call(x, enc_w, enc_b2):
    return pl.pallas_call(
        _tc_body,
        grid=(_NB + 1,),
        in_specs=[
            pl.BlockSpec((_B, _INPUT_DIM), lambda i: (0, 0)),
            pl.BlockSpec((_HB, _INPUT_DIM),
                         lambda i: (jnp.minimum(i, _NB - 1), 0)),
            pl.BlockSpec((1, _HIDDEN), lambda i: (0, 0)),
        ],
        out_specs=[
            pl.BlockSpec((_B, _HIDDEN), lambda i: (0, 0)),
            pl.BlockSpec((_B, _K, _LANES), lambda i: (0, 0, 0)),
            pl.BlockSpec((_B, _K, _LANES), lambda i: (0, 0, 0)),
        ],
        out_shape=[
            jax.ShapeDtypeStruct((_B, _HIDDEN), jnp.float32),
            jax.ShapeDtypeStruct((_B, _K, _LANES), jnp.int32),
            jax.ShapeDtypeStruct((_B, _K, _LANES), jnp.float32),
        ],
        scratch_shapes=[
            pltpu.VMEM((_B, _HIDDEN), jnp.float32),
            pltpu.VMEM((_B, _HIDDEN), jnp.float32),
            pltpu.VMEM((_B, _HIDDEN), jnp.float32),
        ],
        compiler_params=pltpu.CompilerParams(
            dimension_semantics=("arbitrary",),
        ),
    )(x, enc_w, enc_b2)


def _sc_body(tbl_hbm, jb_hbm, vb_hbm, decb_hbm, out_hbm,
             j_ref, v_ref, decb_ref, acc_ref,
             idx0_ref, idx1_ref, rows0_ref, rows1_ref,
             sem0, sem1):
    b = lax.axis_index("c") * 16 + lax.axis_index("s")

    pltpu.sync_copy(jb_hbm.at[b], j_ref)
    pltpu.sync_copy(vb_hbm.at[b], v_ref)
    pltpu.sync_copy(decb_hbm, decb_ref)

    iota = lax.iota(jnp.int32, _LANES)
    iota_scaled = iota * _HIDDEN

    idx_refs = (idx0_ref, idx1_ref)
    rows_refs = (rows0_ref, rows1_ref)
    sems = (sem0, sem1)

    def _build(t, slot):
        j_vec = j_ref[t]

        def bld(c, _):
            idx_refs[slot][pl.ds(c * _LANES, _LANES)] = (
                iota_scaled + c * (_LANES * _HIDDEN) + j_vec)
            return 0

        lax.fori_loop(0, _CHUNKS, bld, 0)
        return pltpu.async_copy(tbl_hbm.at[idx_refs[slot]],
                                rows_refs[slot], sems[slot])

    copies = [None] * _K
    copies[0] = _build(0, 0)
    for t in range(_K):
        if t + 1 < _K:
            copies[t + 1] = _build(t + 1, (t + 1) % 2)
        copies[t].wait()
        vt = v_ref[t]
        rows = rows_refs[t % 2]
        if t == 0:
            def acc0(c, _):
                sl = pl.ds(c * _LANES, _LANES)
                acc_ref[sl] = decb_ref[sl] + vt * rows[sl]
                return 0
            lax.fori_loop(0, _CHUNKS, acc0, 0)
        else:
            def accn(c, _):
                sl = pl.ds(c * _LANES, _LANES)
                acc_ref[sl] = acc_ref[sl] + vt * rows[sl]
                return 0
            lax.fori_loop(0, _CHUNKS, accn, 0)

    pltpu.sync_copy(acc_ref, out_hbm.at[b])


def _sc_call(dec_tbl, jb, vb, dec_b):
    mesh = plsc.VectorSubcoreMesh(core_axis_name="c", subcore_axis_name="s")
    f = pl.kernel(
        _sc_body,
        out_type=jax.ShapeDtypeStruct((_B, _INPUT_DIM), jnp.float32),
        mesh=mesh,
        scratch_types=[
            pltpu.VMEM((_K, _LANES), jnp.int32),
            pltpu.VMEM((_K, _LANES), jnp.float32),
            pltpu.VMEM((_INPUT_DIM,), jnp.float32),
            pltpu.VMEM((_INPUT_DIM,), jnp.float32),
            pltpu.VMEM((_INPUT_DIM,), jnp.int32),
            pltpu.VMEM((_INPUT_DIM,), jnp.int32),
            pltpu.VMEM((_INPUT_DIM,), jnp.float32),
            pltpu.VMEM((_INPUT_DIM,), jnp.float32),
            pltpu.SemaphoreType.DMA,
            pltpu.SemaphoreType.DMA,
        ],
    )
    return f(dec_tbl, jb, vb, dec_b)


def kernel(x, enc_w, enc_b, dec_w, dec_b):
    enc_b2 = enc_b.reshape(1, _HIDDEN)
    h_sparse, jb, vb = _tc_call(x, enc_w, enc_b2)
    dec_tbl = dec_w.reshape(_INPUT_DIM * _HIDDEN)
    out = _sc_call(dec_tbl, jb, vb, dec_b)
    return (out, h_sparse)

# --- scband reference (transcript-rebuilt; emitter-appended) ---
"""Pipeline reference for scband-top-ksae-6081673691200 (READ-ONLY COPY).

The authoritative reference and input builder live on the scoring server;
editing this copy changes nothing except your own understanding.
"""

import jax, jax.numpy as jnp
import numpy as np

INPUT_DIM = 4096
HIDDEN_DIM = 16384
K = 16
BATCH = 32


def setup_inputs(seed: int = 0) -> dict:
    key = jax.random.key(seed)
    k1, k2, k3, k4, k5 = jax.random.split(key, 5)
    x = jax.random.normal(k1, (BATCH, INPUT_DIM), dtype=jnp.float32)
    enc_w = jax.random.normal(k2, (HIDDEN_DIM, INPUT_DIM), dtype=jnp.float32) * 0.02
    enc_b = jnp.zeros((HIDDEN_DIM,), dtype=jnp.float32)
    dec_w = jax.random.normal(k3, (INPUT_DIM, HIDDEN_DIM), dtype=jnp.float32) * 0.02
    dec_b = jnp.zeros((INPUT_DIM,), dtype=jnp.float32)
    return {"x": x, "enc_w": enc_w, "enc_b": enc_b, "dec_w": dec_w, "dec_b": dec_b}


def topk_activation(h, k):
    # zero all values except the k largest per row (matches torch.topk + scatter mask)
    vals, idx = jax.lax.top_k(h, k)
    rows = jnp.arange(h.shape[0])[:, None]
    mask = jnp.zeros_like(h).at[rows, idx].set(1.0)
    return h * mask


def reference(x, enc_w, enc_b, dec_w, dec_b):
    # h = relu(Linear_enc(x))
    h = jax.nn.relu(x @ enc_w.T + enc_b)
    h_sparse = topk_activation(h, K)
    out = h_sparse @ dec_w.T + dec_b
    return (out, h_sparse)

if __name__ == "__main__":
    import jax
    _d = setup_inputs()
    print(jax.jit(kernel)(*tuple(_d.values())))

</pallas_src>

<mosaic_0001>
#map = affine_map<(d0, d1) -> (0)>
#map1 = affine_map<(d0, d1) -> (0, 0, 0)>
#map2 = affine_map<(d0, d1) -> (0, 0)>
module attributes {stable_mosaic.version = 14 : i64} {
  func.func @_sc_body(%arg0: i32, %arg1: i32, %arg2: memref<67108864xf32, #tpu.memory_space<hbm>>, %arg3: memref<32x16x16xi32, #tpu.memory_space<hbm>>, %arg4: memref<32x16x16xf32, #tpu.memory_space<hbm>>, %arg5: memref<4096xf32, #tpu.memory_space<hbm>>, %arg6: memref<32x4096xf32, #tpu.memory_space<hbm>>, %arg7: memref<16x16xi32, #tpu.memory_space<vmem>>, %arg8: memref<16x16xf32, #tpu.memory_space<vmem>>, %arg9: memref<4096xf32, #tpu.memory_space<vmem>>, %arg10: memref<4096xf32, #tpu.memory_space<vmem>>, %arg11: memref<4096xi32, #tpu.memory_space<vmem>>, %arg12: memref<4096xi32, #tpu.memory_space<vmem>>, %arg13: memref<4096xf32, #tpu.memory_space<vmem>>, %arg14: memref<4096xf32, #tpu.memory_space<vmem>>, %arg15: memref<!tpu.dma_semaphore, #tpu.memory_space<semaphore_mem>>, %arg16: memref<!tpu.dma_semaphore, #tpu.memory_space<semaphore_mem>>) attributes {dimension_semantics = [#tpu.dimension_semantics<core_parallel>, #tpu.dimension_semantics<subcore_parallel>], iteration_bounds = array<i64: 2, 16>, scalar_prefetch = 0 : i64, scratch_operands = 10 : i64, tpu.core_type = #tpu.core_type<sc_vector_subcore>, window_params = [{transform_indices = #map}, {transform_indices = #map1}, {transform_indices = #map1}, {transform_indices = #map}, {transform_indices = #map2}]} {
    %mul3A = arith.constant 16 : i32
    %mul3A_0 = arith.muli %arg0, %mul3A : i32
    %add3A = arith.addi %mul3A_0, %arg1 : i32
    "tpu.region"() ({
      %run_scoped3A = tpu.sem_alloc : memref<!tpu.dma_semaphore, #tpu.memory_space<semaphore_mem>>
      %dma_start3A_448 = arith.constant 0 : i32
      %dma_start3A_449 = arith.constant 0 : i32
      %dma_start3A_450 = tpu.memref_slice %arg3[%add3A, %dma_start3A_448, %dma_start3A_449] : memref<32x16x16xi32, #tpu.memory_space<hbm>> -> memref<1x16x16xi32, #tpu.memory_space<hbm>>
      %dma_start3A_451 = tpu.memref_squeeze %dma_start3A_450 : memref<1x16x16xi32, #tpu.memory_space<hbm>> -> memref<16x16xi32, #tpu.memory_space<hbm>>
      %dma_start3A_452 = arith.constant 0 : i32
      %dma_start3A_453 = arith.constant 0 : i32
      %dma_start3A_454 = tpu.memref_slice %arg3[%add3A, %dma_start3A_452, %dma_start3A_453] : memref<32x16x16xi32, #tpu.memory_space<hbm>> -> memref<1x16x16xi32, #tpu.memory_space<hbm>>
      %dma_start3A_455 = tpu.memref_squeeze %dma_start3A_454 : memref<1x16x16xi32, #tpu.memory_space<hbm>> -> memref<16x16xi32, #tpu.memory_space<hbm>>
      tpu.enqueue_dma source(%dma_start3A_455 : memref<16x16xi32, #tpu.memory_space<hbm>>) target(%arg7 : memref<16x16xi32, #tpu.memory_space<vmem>>) target_semaphore(%run_scoped3A : memref<!tpu.dma_semaphore, #tpu.memory_space<semaphore_mem>>)
      %dma_wait3A_456 = arith.constant 0 : i32
      %dma_wait3A_457 = arith.constant 0 : i32
      %dma_wait3A_458 = tpu.memref_slice %arg3[%add3A, %dma_wait3A_456, %dma_wait3A_457] : memref<32x16x16xi32, #tpu.memory_space<hbm>> -> memref<1x16x16xi32, #tpu.memory_space<hbm>>
      %dma_wait3A_459 = tpu.memref_squeeze %dma_wait3A_458 : memref<1x16x16xi32, #tpu.memory_space<hbm>> -> memref<16x16xi32, #tpu.memory_space<hbm>>
      %dma_wait3A_460 = arith.constant 0 : i32
      %dma_wait3A_461 = arith.constant 0 : i32
      %dma_wait3A_462 = tpu.memref_slice %arg3[%add3A, %dma_wait3A_460, %dma_wait3A_461] : memref<32x16x16xi32, #tpu.memory_space<hbm>> -> memref<1x16x16xi32, #tpu.memory_space<hbm>>
      %dma_wait3A_463 = tpu.memref_squeeze %dma_wait3A_462 : memref<1x16x16xi32, #tpu.memory_space<hbm>> -> memref<16x16xi32, #tpu.memory_space<hbm>>
      tpu.wait_dma2 semaphore(%run_scoped3A : memref<!tpu.dma_semaphore, #tpu.memory_space<semaphore_mem>>) src(%dma_wait3A_463 : memref<16x16xi32, #tpu.memory_space<hbm>>) dst(%arg7 : memref<16x16xi32, #tpu.memory_space<vmem>>)
      tpu.yield
    }) : () -> ()
    "tpu.region"() ({
      %run_scoped3A = tpu.sem_alloc : memref<!tpu.dma_semaphore, #tpu.memory_space<semaphore_mem>>
      %dma_start3A_448 = arith.constant 0 : i32
      %dma_start3A_449 = arith.constant 0 : i32
      %dma_start3A_450 = tpu.memref_slice %arg4[%add3A, %dma_start3A_448, %dma_start3A_449] : memref<32x16x16xf32, #tpu.memory_space<hbm>> -> memref<1x16x16xf32, #tpu.memory_space<hbm>>
      %dma_start3A_451 = tpu.memref_squeeze %dma_start3A_450 : memref<1x16x16xf32, #tpu.memory_space<hbm>> -> memref<16x16xf32, #tpu.memory_space<hbm>>
      %dma_start3A_452 = arith.constant 0 : i32
      %dma_start3A_453 = arith.constant 0 : i32
      %dma_start3A_454 = tpu.memref_slice %arg4[%add3A, %dma_start3A_452, %dma_start3A_453] : memref<32x16x16xf32, #tpu.memory_space<hbm>> -> memref<1x16x16xf32, #tpu.memory_space<hbm>>
      %dma_start3A_455 = tpu.memref_squeeze %dma_start3A_454 : memref<1x16x16xf32, #tpu.memory_space<hbm>> -> memref<16x16xf32, #tpu.memory_space<hbm>>
      tpu.enqueue_dma source(%dma_start3A_455 : memref<16x16xf32, #tpu.memory_space<hbm>>) target(%arg8 : memref<16x16xf32, #tpu.memory_space<vmem>>) target_semaphore(%run_scoped3A : memref<!tpu.dma_semaphore, #tpu.memory_space<semaphore_mem>>)
      %dma_wait3A_456 = arith.constant 0 : i32
      %dma_wait3A_457 = arith.constant 0 : i32
      %dma_wait3A_458 = tpu.memref_slice %arg4[%add3A, %dma_wait3A_456, %dma_wait3A_457] : memref<32x16x16xf32, #tpu.memory_space<hbm>> -> memref<1x16x16xf32, #tpu.memory_space<hbm>>
      %dma_wait3A_459 = tpu.memref_squeeze %dma_wait3A_458 : memref<1x16x16xf32, #tpu.memory_space<hbm>> -> memref<16x16xf32, #tpu.memory_space<hbm>>
      %dma_wait3A_460 = arith.constant 0 : i32
      %dma_wait3A_461 = arith.constant 0 : i32
      %dma_wait3A_462 = tpu.memref_slice %arg4[%add3A, %dma_wait3A_460, %dma_wait3A_461] : memref<32x16x16xf32, #tpu.memory_space<hbm>> -> memref<1x16x16xf32, #tpu.memory_space<hbm>>
      %dma_wait3A_463 = tpu.memref_squeeze %dma_wait3A_462 : memref<1x16x16xf32, #tpu.memory_space<hbm>> -> memref<16x16xf32, #tpu.memory_space<hbm>>
      tpu.wait_dma2 semaphore(%run_scoped3A : memref<!tpu.dma_semaphore, #tpu.memory_space<semaphore_mem>>) src(%dma_wait3A_463 : memref<16x16xf32, #tpu.memory_space<hbm>>) dst(%arg8 : memref<16x16xf32, #tpu.memory_space<vmem>>)
      tpu.yield
    }) : () -> ()
    "tpu.region"() ({
      %run_scoped3A = tpu.sem_alloc : memref<!tpu.dma_semaphore, #tpu.memory_space<semaphore_mem>>
      tpu.enqueue_dma source(%arg5 : memref<4096xf32, #tpu.memory_space<hbm>>) target(%arg9 : memref<4096xf32, #tpu.memory_space<vmem>>) target_semaphore(%run_scoped3A : memref<!tpu.dma_semaphore, #tpu.memory_space<semaphore_mem>>)
      tpu.wait_dma2 semaphore(%run_scoped3A : memref<!tpu.dma_semaphore, #tpu.memory_space<semaphore_mem>>) src(%arg5 : memref<4096xf32, #tpu.memory_space<hbm>>) dst(%arg9 : memref<4096xf32, #tpu.memory_space<vmem>>)
      tpu.yield
    }) : () -> ()
    %iota3A = tpu.iota {dimensions = array<i32: 0>} : vector<16xi32>
    %mul3A_1 = arith.constant 16384 : i32
    %mul3A_2 = vector.broadcast %mul3A_1 : i32 to vector<16xi32>
    %mul3A_3 = arith.muli %iota3A, %mul3A_2 : vector<16xi32>
    %get3A = arith.constant 0 : i32
    %get3A_4 = arith.index_cast %get3A : i32 to index
    %get3A_5 = arith.constant 0 : index
    %get3A_6 = tpu.vector_load %arg7[%get3A_4, %get3A_5] {strides = array<i32>} : memref<16x16xi32, #tpu.memory_space<vmem>>, vector<1x16xi32>,
    %get3A_7 = vector.shape_cast %get3A_6 : vector<1x16xi32> to vector<16xi32>
    %scan3A = arith.constant 0 : i32
    %scan3A_8 = arith.constant 0 : i32
    %scan3A_9 = arith.constant 256 : i32
    %scan3A_10 = arith.addi %scan3A_8, %scan3A_9 : i32
    %scan3A_11 = arith.constant 1 : i32
    %scan3A_12 = scf.for %scan3A_448 = %scan3A_8 to %scan3A_10 step %scan3A_11 iter_args(%scan3A_449 = %scan3A) -> (i32)  : i32 {
      %mul3A_450 = arith.constant 262144 : i32
      %mul3A_451 = arith.muli %scan3A_448, %mul3A_450 : i32
      %add3A_452 = vector.broadcast %mul3A_451 : i32 to vector<16xi32>
      %add3A_453 = arith.addi %mul3A_3, %add3A_452 : vector<16xi32>
      %add3A_454 = arith.addi %add3A_453, %get3A_7 : vector<16xi32>
      %mul3A_455 = arith.constant 16 : i32
      %mul3A_456 = arith.muli %scan3A_448, %mul3A_455 : i32
      %swap3A = arith.index_cast %mul3A_456 : i32 to index
      %swap3A_457 = tpu.vector_load %arg11[%swap3A] {strides = array<i32>} : memref<4096xi32, #tpu.memory_space<vmem>>, vector<16xi32>,
      %swap3A_458 = vector.shape_cast %swap3A_457 : vector<16xi32> to vector<16xi32>
      %swap3A_459 = vector.shape_cast %add3A_454 : vector<16xi32> to vector<16xi32>
      tpu.vector_store %arg11[%swap3A], %swap3A_459 {strides = array<i32>} : memref<4096xi32, #tpu.memory_space<vmem>>, vector<16xi32>,
      %scan3A_460 = arith.constant 0 : i32
      scf.yield %scan3A_460 : i32
    }
    %scan3A_13 = arith.constant 256 : i32
    %dma_start3A = arith.constant 0 : i32
    %dma_start3A_14 = tpu.memref_slice %arg2[%dma_start3A] : memref<67108864xf32, #tpu.memory_space<hbm>> -> memref<67108864xf32, #tpu.memory_space<hbm>>
    tpu.enqueue_indirect_dma source(%dma_start3A_14 : memref<67108864xf32, #tpu.memory_space<hbm>>) target(%arg13 : memref<4096xf32, #tpu.memory_space<vmem>>) offsets(%arg11 : memref<4096xi32, #tpu.memory_space<vmem>>) semaphore(%arg15 : memref<!tpu.dma_semaphore, #tpu.memory_space<semaphore_mem>>)
    %get3A_15 = arith.constant 1 : i32
    %get3A_16 = arith.index_cast %get3A_15 : i32 to index
    %get3A_17 = arith.constant 0 : index
    %get3A_18 = tpu.vector_load %arg7[%get3A_16, %get3A_17] {strides = array<i32>} : memref<16x16xi32, #tpu.memory_space<vmem>>, vector<1x16xi32>,
    %get3A_19 = vector.shape_cast %get3A_18 : vector<1x16xi32> to vector<16xi32>
    %scan3A_20 = arith.constant 0 : i32
    %scan3A_21 = arith.constant 0 : i32
    %scan3A_22 = arith.constant 256 : i32
    %scan3A_23 = arith.addi %scan3A_21, %scan3A_22 : i32
    %scan3A_24 = arith.constant 1 : i32
    %scan3A_25 = scf.for %scan3A_448 = %scan3A_21 to %scan3A_23 step %scan3A_24 iter_args(%scan3A_449 = %scan3A_20) -> (i32)  : i32 {
      %mul3A_450 = arith.constant 262144 : i32
      %mul3A_451 = arith.muli %scan3A_448, %mul3A_450 : i32
      %add3A_452 = vector.broadcast %mul3A_451 : i32 to vector<16xi32>
      %add3A_453 = arith.addi %mul3A_3, %add3A_452 : vector<16xi32>
      %add3A_454 = arith.addi %add3A_453, %get3A_19 : vector<16xi32>
      %mul3A_455 = arith.constant 16 : i32
      %mul3A_456 = arith.muli %scan3A_448, %mul3A_455 : i32
      %swap3A = arith.index_cast %mul3A_456 : i32 to index
      %swap3A_457 = tpu.vector_load %arg12[%swap3A] {strides = array<i32>} : memref<4096xi32, #tpu.memory_space<vmem>>, vector<16xi32>,
      %swap3A_458 = vector.shape_cast %swap3A_457 : vector<16xi32> to vector<16xi32>
      %swap3A_459 = vector.shape_cast %add3A_454 : vector<16xi32> to vector<16xi32>
      tpu.vector_store %arg12[%swap3A], %swap3A_459 {strides = array<i32>} : memref<4096xi32, #tpu.memory_space<vmem>>, vector<16xi32>,
      %scan3A_460 = arith.constant 0 : i32
      scf.yield %scan3A_460 : i32
    }
    %scan3A_26 = arith.constant 256 : i32
    %dma_start3A_27 = arith.constant 0 : i32
    %dma_start3A_28 = tpu.memref_slice %arg2[%dma_start3A_27] : memref<67108864xf32, #tpu.memory_space<hbm>> -> memref<67108864xf32, #tpu.memory_space<hbm>>
    tpu.enqueue_indirect_dma source(%dma_start3A_28 : memref<67108864xf32, #tpu.memory_space<hbm>>) target(%arg14 : memref<4096xf32, #tpu.memory_space<vmem>>) offsets(%arg12 : memref<4096xi32, #tpu.memory_space<vmem>>) semaphore(%arg16 : memref<!tpu.dma_semaphore, #tpu.memory_space<semaphore_mem>>)
    %dma_wait3A = arith.constant 0 : i32
    %dma_wait3A_29 = tpu.memref_slice %arg2[%dma_wait3A] : memref<67108864xf32, #tpu.memory_space<hbm>> -> memref<67108864xf32, #tpu.memory_space<hbm>>
    tpu.wait_indirect_dma semaphore(%arg15 : memref<!tpu.dma_semaphore, #tpu.memory_space<semaphore_mem>>) src(%dma_wait3A_29 : memref<67108864xf32, #tpu.memory_space<hbm>>) dst(%arg13 : memref<4096xf32, #tpu.memory_space<vmem>>)
    %get3A_30 = arith.constant 0 : i32
    %get3A_31 = arith.index_cast %get3A_30 : i32 to index
    %get3A_32 = arith.constant 0 : index
    %get3A_33 = tpu.vector_load %arg8[%get3A_31, %get3A_32] {strides = array<i32>} : memref<16x16xf32, #tpu.memory_space<vmem>>, vector<1x16xf32>,
    %get3A_34 = vector.shape_cast %get3A_33 : vector<1x16xf32> to vector<16xf32>
    %scan3A_35 = arith.constant 0 : i32
    %scan3A_36 = arith.constant 0 : i32
    %scan3A_37 = arith.constant 256 : i32
    %scan3A_38 = arith.addi %scan3A_36, %scan3A_37 : i32
    %scan3A_39 = arith.constant 1 : i32
    %scan3A_40 = scf.for %scan3A_448 = %scan3A_36 to %scan3A_38 step %scan3A_39 iter_args(%scan3A_449 = %scan3A_35) -> (i32)  : i32 {
      %mul3A_450 = arith.constant 16 : i32
      %mul3A_451 = arith.muli %scan3A_448, %mul3A_450 : i32
      %get3A_452 = arith.index_cast %mul3A_451 : i32 to index
      %get3A_453 = tpu.vector_load %arg9[%get3A_452] {strides = array<i32>} : memref<4096xf32, #tpu.memory_space<vmem>>, vector<16xf32>,
      %get3A_454 = vector.shape_cast %get3A_453 : vector<16xf32> to vector<16xf32>
      %get3A_455 = arith.index_cast %mul3A_451 : i32 to index
      %get3A_456 = tpu.vector_load %arg13[%get3A_455] {strides = array<i32>} : memref<4096xf32, #tpu.memory_space<vmem>>, vector<16xf32>,
      %get3A_457 = vector.shape_cast %get3A_456 : vector<16xf32> to vector<16xf32>
      %mul3A_458 = arith.mulf %get3A_34, %get3A_457 : vector<16xf32>
      %add3A_459 = arith.addf %get3A_454, %mul3A_458 : vector<16xf32>
      %swap3A = arith.index_cast %mul3A_451 : i32 to index
      %swap3A_460 = tpu.vector_load %arg10[%swap3A] {strides = array<i32>} : memref<4096xf32, #tpu.memory_space<vmem>>, vector<16xf32>,
      %swap3A_461 = vector.shape_cast %swap3A_460 : vector<16xf32> to vector<16xf32>
      %swap3A_462 = vector.shape_cast %add3A_459 : vector<16xf32> to vector<16xf32>
      tpu.vector_store %arg10[%swap3A], %swap3A_462 {strides = array<i32>} : memref<4096xf32, #tpu.memory_space<vmem>>, vector<16xf32>,
      %scan3A_463 = arith.constant 0 : i32
      scf.yield %scan3A_463 : i32
    }
    %scan3A_41 = arith.constant 256 : i32
    %get3A_42 = arith.constant 2 : i32
    %get3A_43 = arith.index_cast %get3A_42 : i32 to index
    %get3A_44 = arith.constant 0 : index
    %get3A_45 = tpu.vector_load %arg7[%get3A_43, %get3A_44] {strides = array<i32>} : memref<16x16xi32, #tpu.memory_space<vmem>>, vector<1x16xi32>,
    %get3A_46 = vector.shape_cast %get3A_45 : vector<1x16xi32> to vector<16xi32>
    %scan3A_47 = arith.constant 0 : i32
    %scan3A_48 = arith.constant 0 : i32
    %scan3A_49 = arith.constant 256 : i32
    %scan3A_50 = arith.addi %scan3A_48, %scan3A_49 : i32
    %scan3A_51 = arith.constant 1 : i32
    %scan3A_52 = scf.for %scan3A_448 = %scan3A_48 to %scan3A_50 step %scan3A_51 iter_args(%scan3A_449 = %scan3A_47) -> (i32)  : i32 {
      %mul3A_450 = arith.constant 262144 : i32
      %mul3A_451 = arith.muli %scan3A_448, %mul3A_450 : i32
      %add3A_452 = vector.broadcast %mul3A_451 : i32 to vector<16xi32>
      %add3A_453 = arith.addi %mul3A_3, %add3A_452 : vector<16xi32>
      %add3A_454 = arith.addi %add3A_453, %get3A_46 : vector<16xi32>
      %mul3A_455 = arith.constant 16 : i32
      %mul3A_456 = arith.muli %scan3A_448, %mul3A_455 : i32
      %swap3A = arith.index_cast %mul3A_456 : i32 to index
      %swap3A_457 = tpu.vector_load %arg11[%swap3A] {strides = array<i32>} : memref<4096xi32, #tpu.memory_space<vmem>>, vector<16xi32>,
      %swap3A_458 = vector.shape_cast %swap3A_457 : vector<16xi32> to vector<16xi32>
      %swap3A_459 = vector.shape_cast %add3A_454 : vector<16xi32> to vector<16xi32>
      tpu.vector_store %arg11[%swap3A], %swap3A_459 {strides = array<i32>} : memref<4096xi32, #tpu.memory_space<vmem>>, vector<16xi32>,
      %scan3A_460 = arith.constant 0 : i32
      scf.yield %scan3A_460 : i32
    }
    %scan3A_53 = arith.constant 256 : i32
    %dma_start3A_54 = arith.constant 0 : i32
    %dma_start3A_55 = tpu.memref_slice %arg2[%dma_start3A_54] : memref<67108864xf32, #tpu.memory_space<hbm>> -> memref<67108864xf32, #tpu.memory_space<hbm>>
    tpu.enqueue_indirect_dma source(%dma_start3A_55 : memref<67108864xf32, #tpu.memory_space<hbm>>) target(%arg13 : memref<4096xf32, #tpu.memory_space<vmem>>) offsets(%arg11 : memref<4096xi32, #tpu.memory_space<vmem>>) semaphore(%arg15 : memref<!tpu.dma_semaphore, #tpu.memory_space<semaphore_mem>>)
    %dma_wait3A_56 = arith.constant 0 : i32
    %dma_wait3A_57 = tpu.memref_slice %arg2[%dma_wait3A_56] : memref<67108864xf32, #tpu.memory_space<hbm>> -> memref<67108864xf32, #tpu.memory_space<hbm>>
    tpu.wait_indirect_dma semaphore(%arg16 : memref<!tpu.dma_semaphore, #tpu.memory_space<semaphore_mem>>) src(%dma_wait3A_57 : memref<67108864xf32, #tpu.memory_space<hbm>>) dst(%arg14 : memref<4096xf32, #tpu.memory_space<vmem>>)
    %get3A_58 = arith.constant 1 : i32
    %get3A_59 = arith.index_cast %get3A_58 : i32 to index
    %get3A_60 = arith.constant 0 : index
    %get3A_61 = tpu.vector_load %arg8[%get3A_59, %get3A_60] {strides = array<i32>} : memref<16x16xf32, #tpu.memory_space<vmem>>, vector<1x16xf32>,
    %get3A_62 = vector.shape_cast %get3A_61 : vector<1x16xf32> to vector<16xf32>
    %scan3A_63 = arith.constant 0 : i32
    %scan3A_64 = arith.constant 0 : i32
    %scan3A_65 = arith.constant 256 : i32
    %scan3A_66 = arith.addi %scan3A_64, %scan3A_65 : i32
    %scan3A_67 = arith.constant 1 : i32
    %scan3A_68 = scf.for %scan3A_448 = %scan3A_64 to %scan3A_66 step %scan3A_67 iter_args(%scan3A_449 = %scan3A_63) -> (i32)  : i32 {
      %mul3A_450 = arith.constant 16 : i32
      %mul3A_451 = arith.muli %scan3A_448, %mul3A_450 : i32
      %get3A_452 = arith.index_cast %mul3A_451 : i32 to index
      %get3A_453 = tpu.vector_load %arg10[%get3A_452] {strides = array<i32>} : memref<4096xf32, #tpu.memory_space<vmem>>, vector<16xf32>,
      %get3A_454 = vector.shape_cast %get3A_453 : vector<16xf32> to vector<16xf32>
      %get3A_455 = arith.index_cast %mul3A_451 : i32 to index
      %get3A_456 = tpu.vector_load %arg14[%get3A_455] {strides = array<i32>} : memref<4096xf32, #tpu.memory_space<vmem>>, vector<16xf32>,
      %get3A_457 = vector.shape_cast %get3A_456 : vector<16xf32> to vector<16xf32>
      %mul3A_458 = arith.mulf %get3A_62, %get3A_457 : vector<16xf32>
      %add3A_459 = arith.addf %get3A_454, %mul3A_458 : vector<16xf32>
      %swap3A = arith.index_cast %mul3A_451 : i32 to index
      %swap3A_460 = tpu.vector_load %arg10[%swap3A] {strides = array<i32>} : memref<4096xf32, #tpu.memory_space<vmem>>, vector<16xf32>,
      %swap3A_461 = vector.shape_cast %swap3A_460 : vector<16xf32> to vector<16xf32>
      %swap3A_462 = vector.shape_cast %add3A_459 : vector<16xf32> to vector<16xf32>
      tpu.vector_store %arg10[%swap3A], %swap3A_462 {strides = array<i32>} : memref<4096xf32, #tpu.memory_space<vmem>>, vector<16xf32>,
      %scan3A_463 = arith.constant 0 : i32
      scf.yield %scan3A_463 : i32
    }
    %scan3A_69 = arith.constant 256 : i32
    %get3A_70 = arith.constant 3 : i32
    %get3A_71 = arith.index_cast %get3A_70 : i32 to index
    %get3A_72 = arith.constant 0 : index
    %get3A_73 = tpu.vector_load %arg7[%get3A_71, %get3A_72] {strides = array<i32>} : memref<16x16xi32, #tpu.memory_space<vmem>>, vector<1x16xi32>,
    %get3A_74 = vector.shape_cast %get3A_73 : vector<1x16xi32> to vector<16xi32>
    %scan3A_75 = arith.constant 0 : i32
    %scan3A_76 = arith.constant 0 : i32
    %scan3A_77 = arith.constant 256 : i32
    %scan3A_78 = arith.addi %scan3A_76, %scan3A_77 : i32
    %scan3A_79 = arith.constant 1 : i32
    %scan3A_80 = scf.for %scan3A_448 = %scan3A_76 to %scan3A_78 step %scan3A_79 iter_args(%scan3A_449 = %scan3A_75) -> (i32)  : i32 {
      %mul3A_450 = arith.constant 262144 : i32
      %mul3A_451 = arith.muli %scan3A_448, %mul3A_450 : i32
      %add3A_452 = vector.broadcast %mul3A_451 : i32 to vector<16xi32>
      %add3A_453 = arith.addi %mul3A_3, %add3A_452 : vector<16xi32>
      %add3A_454 = arith.addi %add3A_453, %get3A_74 : vector<16xi32>
      %mul3A_455 = arith.constant 16 : i32
      %mul3A_456 = arith.muli %scan3A_448, %mul3A_455 : i32
      %swap3A = arith.index_cast %mul3A_456 : i32 to index
      %swap3A_457 = tpu.vector_load %arg12[%swap3A] {strides = array<i32>} : memref<4096xi32, #tpu.memory_space<vmem>>, vector<16xi32>,
      %swap3A_458 = vector.shape_cast %swap3A_457 : vector<16xi32> to vector<16xi32>
      %swap3A_459 = vector.shape_cast %add3A_454 : vector<16xi32> to vector<16xi32>
      tpu.vector_store %arg12[%swap3A], %swap3A_459 {strides = array<i32>} : memref<4096xi32, #tpu.memory_space<vmem>>, vector<16xi32>,
      %scan3A_460 = arith.constant 0 : i32
      scf.yield %scan3A_460 : i32
    }
    %scan3A_81 = arith.constant 256 : i32
    %dma_start3A_82 = arith.constant 0 : i32
    %dma_start3A_83 = tpu.memref_slice %arg2[%dma_start3A_82] : memref<67108864xf32, #tpu.memory_space<hbm>> -> memref<67108864xf32, #tpu.memory_space<hbm>>
    tpu.enqueue_indirect_dma source(%dma_start3A_83 : memref<67108864xf32, #tpu.memory_space<hbm>>) target(%arg14 : memref<4096xf32, #tpu.memory_space<vmem>>) offsets(%arg12 : memref<4096xi32, #tpu.memory_space<vmem>>) semaphore(%arg16 : memref<!tpu.dma_semaphore, #tpu.memory_space<semaphore_mem>>)
    %dma_wait3A_84 = arith.constant 0 : i32
    %dma_wait3A_85 = tpu.memref_slice %arg2[%dma_wait3A_84] : memref<67108864xf32, #tpu.memory_space<hbm>> -> memref<67108864xf32, #tpu.memory_space<hbm>>
    tpu.wait_indirect_dma semaphore(%arg15 : memref<!tpu.dma_semaphore, #tpu.memory_space<semaphore_mem>>) src(%dma_wait3A_85 : memref<67108864xf32, #tpu.memory_space<hbm>>) dst(%arg13 : memref<4096xf32, #tpu.memory_space<vmem>>)
    %get3A_86 = arith.constant 2 : i32
    %get3A_87 = arith.index_cast %get3A_86 : i32 to index
    %get3A_88 = arith.constant 0 : index
    %get3A_89 = tpu.vector_load %arg8[%get3A_87, %get3A_88] {strides = array<i32>} : memref<16x16xf32, #tpu.memory_space<vmem>>, vector<1x16xf32>,
    %get3A_90 = vector.shape_cast %get3A_89 : vector<1x16xf32> to vector<16xf32>
    %scan3A_91 = arith.constant 0 : i32
    %scan3A_92 = arith.constant 0 : i32
    %scan3A_93 = arith.constant 256 : i32
    %scan3A_94 = arith.addi %scan3A_92, %scan3A_93 : i32
    %scan3A_95 = arith.constant 1 : i32
    %scan3A_96 = scf.for %scan3A_448 = %scan3A_92 to %scan3A_94 step %scan3A_95 iter_args(%scan3A_449 = %scan3A_91) -> (i32)  : i32 {
      %mul3A_450 = arith.constant 16 : i32
      %mul3A_451 = arith.muli %scan3A_448, %mul3A_450 : i32
      %get3A_452 = arith.index_cast %mul3A_451 : i32 to index
      %get3A_453 = tpu.vector_load %arg10[%get3A_452] {strides = array<i32>} : memref<4096xf32, #tpu.memory_space<vmem>>, vector<16xf32>,
      %get3A_454 = vector.shape_cast %get3A_453 : vector<16xf32> to vector<16xf32>
      %get3A_455 = arith.index_cast %mul3A_451 : i32 to index
      %get3A_456 = tpu.vector_load %arg13[%get3A_455] {strides = array<i32>} : memref<4096xf32, #tpu.memory_space<vmem>>, vector<16xf32>,
      %get3A_457 = vector.shape_cast %get3A_456 : vector<16xf32> to vector<16xf32>
      %mul3A_458 = arith.mulf %get3A_90, %get3A_457 : vector<16xf32>
      %add3A_459 = arith.addf %get3A_454, %mul3A_458 : vector<16xf32>
      %swap3A = arith.index_cast %mul3A_451 : i32 to index
      %swap3A_460 = tpu.vector_load %arg10[%swap3A] {strides = array<i32>} : memref<4096xf32, #tpu.memory_space<vmem>>, vector<16xf32>,
      %swap3A_461 = vector.shape_cast %swap3A_460 : vector<16xf32> to vector<16xf32>
      %swap3A_462 = vector.shape_cast %add3A_459 : vector<16xf32> to vector<16xf32>
      tpu.vector_store %arg10[%swap3A], %swap3A_462 {strides = array<i32>} : memref<4096xf32, #tpu.memory_space<vmem>>, vector<16xf32>,
      %scan3A_463 = arith.constant 0 : i32
      scf.yield %scan3A_463 : i32
    }
    %scan3A_97 = arith.constant 256 : i32
    %get3A_98 = arith.constant 4 : i32
    %get3A_99 = arith.index_cast %get3A_98 : i32 to index
    %get3A_100 = arith.constant 0 : index
    %get3A_101 = tpu.vector_load %arg7[%get3A_99, %get3A_100] {strides = array<i32>} : memref<16x16xi32, #tpu.memory_space<vmem>>, vector<1x16xi32>,
    %get3A_102 = vector.shape_cast %get3A_101 : vector<1x16xi32> to vector<16xi32>
    %scan3A_103 = arith.constant 0 : i32
    %scan3A_104 = arith.constant 0 : i32
    %scan3A_105 = arith.constant 256 : i32
    %scan3A_106 = arith.addi %scan3A_104, %scan3A_105 : i32
    %scan3A_107 = arith.constant 1 : i32
    %scan3A_108 = scf.for %scan3A_448 = %scan3A_104 to %scan3A_106 step %scan3A_107 iter_args(%scan3A_449 = %scan3A_103) -> (i32)  : i32 {
      %mul3A_450 = arith.constant 262144 : i32
      %mul3A_451 = arith.muli %scan3A_448, %mul3A_450 : i32
      %add3A_452 = vector.broadcast %mul3A_451 : i32 to vector<16xi32>
      %add3A_453 = arith.addi %mul3A_3, %add3A_452 : vector<16xi32>
      %add3A_454 = arith.addi %add3A_453, %get3A_102 : vector<16xi32>
      %mul3A_455 = arith.constant 16 : i32
      %mul3A_456 = arith.muli %scan3A_448, %mul3A_455 : i32
      %swap3A = arith.index_cast %mul3A_456 : i32 to index
      %swap3A_457 = tpu.vector_load %arg11[%swap3A] {strides = array<i32>} : memref<4096xi32, #tpu.memory_space<vmem>>, vector<16xi32>,
      %swap3A_458 = vector.shape_cast %swap3A_457 : vector<16xi32> to vector<16xi32>
      %swap3A_459 = vector.shape_cast %add3A_454 : vector<16xi32> to vector<16xi32>
      tpu.vector_store %arg11[%swap3A], %swap3A_459 {strides = array<i32>} : memref<4096xi32, #tpu.memory_space<vmem>>, vector<16xi32>,
      %scan3A_460 = arith.constant 0 : i32
      scf.yield %scan3A_460 : i32
    }
    %scan3A_109 = arith.constant 256 : i32
    %dma_start3A_110 = arith.constant 0 : i32
    %dma_start3A_111 = tpu.memref_slice %arg2[%dma_start3A_110] : memref<67108864xf32, #tpu.memory_space<hbm>> -> memref<67108864xf32, #tpu.memory_space<hbm>>
    tpu.enqueue_indirect_dma source(%dma_start3A_111 : memref<67108864xf32, #tpu.memory_space<hbm>>) target(%arg13 : memref<4096xf32, #tpu.memory_space<vmem>>) offsets(%arg11 : memref<4096xi32, #tpu.memory_space<vmem>>) semaphore(%arg15 : memref<!tpu.dma_semaphore, #tpu.memory_space<semaphore_mem>>)
    %dma_wait3A_112 = arith.constant 0 : i32
    %dma_wait3A_113 = tpu.memref_slice %arg2[%dma_wait3A_112] : memref<67108864xf32, #tpu.memory_space<hbm>> -> memref<67108864xf32, #tpu.memory_space<hbm>>
    tpu.wait_indirect_dma semaphore(%arg16 : memref<!tpu.dma_semaphore, #tpu.memory_space<semaphore_mem>>) src(%dma_wait3A_113 : memref<67108864xf32, #tpu.memory_space<hbm>>) dst(%arg14 : memref<4096xf32, #tpu.memory_space<vmem>>)
    %get3A_114 = arith.constant 3 : i32
    %get3A_115 = arith.index_cast %get3A_114 : i32 to index
    %get3A_116 = arith.constant 0 : index
    %get3A_117 = tpu.vector_load %arg8[%get3A_115, %get3A_116] {strides = array<i32>} : memref<16x16xf32, #tpu.memory_space<vmem>>, vector<1x16xf32>,
    %get3A_118 = vector.shape_cast %get3A_117 : vector<1x16xf32> to vector<16xf32>
    %scan3A_119 = arith.constant 0 : i32
    %scan3A_120 = arith.constant 0 : i32
    %scan3A_121 = arith.constant 256 : i32
    %scan3A_122 = arith.addi %scan3A_120, %scan3A_121 : i32
    %scan3A_123 = arith.constant 1 : i32
    %scan3A_124 = scf.for %scan3A_448 = %scan3A_120 to %scan3A_122 step %scan3A_123 iter_args(%scan3A_449 = %scan3A_119) -> (i32)  : i32 {
      %mul3A_450 = arith.constant 16 : i32
      %mul3A_451 = arith.muli %scan3A_448, %mul3A_450 : i32
      %get3A_452 = arith.index_cast %mul3A_451 : i32 to index
      %get3A_453 = tpu.vector_load %arg10[%get3A_452] {strides = array<i32>} : memref<4096xf32, #tpu.memory_space<vmem>>, vector<16xf32>,
      %get3A_454 = vector.shape_cast %get3A_453 : vector<16xf32> to vector<16xf32>
      %get3A_455 = arith.index_cast %mul3A_451 : i32 to index
      %get3A_456 = tpu.vector_load %arg14[%get3A_455] {strides = array<i32>} : memref<4096xf32, #tpu.memory_space<vmem>>, vector<16xf32>,
      %get3A_457 = vector.shape_cast %get3A_456 : vector<16xf32> to vector<16xf32>
      %mul3A_458 = arith.mulf %get3A_118, %get3A_457 : vector<16xf32>
      %add3A_459 = arith.addf %get3A_454, %mul3A_458 : vector<16xf32>
      %swap3A = arith.index_cast %mul3A_451 : i32 to index
      %swap3A_460 = tpu.vector_load %arg10[%swap3A] {strides = array<i32>} : memref<4096xf32, #tpu.memory_space<vmem>>, vector<16xf32>,
      %swap3A_461 = vector.shape_cast %swap3A_460 : vector<16xf32> to vector<16xf32>
      %swap3A_462 = vector.shape_cast %add3A_459 : vector<16xf32> to vector<16xf32>
      tpu.vector_store %arg10[%swap3A], %swap3A_462 {strides = array<i32>} : memref<4096xf32, #tpu.memory_space<vmem>>, vector<16xf32>,
      %scan3A_463 = arith.constant 0 : i32
      scf.yield %scan3A_463 : i32
    }
    %scan3A_125 = arith.constant 256 : i32
    %get3A_126 = arith.constant 5 : i32
    %get3A_127 = arith.index_cast %get3A_126 : i32 to index
    %get3A_128 = arith.constant 0 : index
    %get3A_129 = tpu.vector_load %arg7[%get3A_127, %get3A_128] {strides = array<i32>} : memref<16x16xi32, #tpu.memory_space<vmem>>, vector<1x16xi32>,
    %get3A_130 = vector.shape_cast %get3A_129 : vector<1x16xi32> to vector<16xi32>
    %scan3A_131 = arith.constant 0 : i32
    %scan3A_132 = arith.constant 0 : i32
    %scan3A_133 = arith.constant 256 : i32
    %scan3A_134 = arith.addi %scan3A_132, %scan3A_133 : i32
    %scan3A_135 = arith.constant 1 : i32
    %scan3A_136 = scf.for %scan3A_448 = %scan3A_132 to %scan3A_134 step %scan3A_135 iter_args(%scan3A_449 = %scan3A_131) -> (i32)  : i32 {
      %mul3A_450 = arith.constant 262144 : i32
      %mul3A_451 = arith.muli %scan3A_448, %mul3A_450 : i32
      %add3A_452 = vector.broadcast %mul3A_451 : i32 to vector<16xi32>
      %add3A_453 = arith.addi %mul3A_3, %add3A_452 : vector<16xi32>
      %add3A_454 = arith.addi %add3A_453, %get3A_130 : vector<16xi32>
      %mul3A_455 = arith.constant 16 : i32
      %mul3A_456 = arith.muli %scan3A_448, %mul3A_455 : i32
      %swap3A = arith.index_cast %mul3A_456 : i32 to index
      %swap3A_457 = tpu.vector_load %arg12[%swap3A] {strides = array<i32>} : memref<4096xi32, #tpu.memory_space<vmem>>, vector<16xi32>,
      %swap3A_458 = vector.shape_cast %swap3A_457 : vector<16xi32> to vector<16xi32>
      %swap3A_459 = vector.shape_cast %add3A_454 : vector<16xi32> to vector<16xi32>
      tpu.vector_store %arg12[%swap3A], %swap3A_459 {strides = array<i32>} : memref<4096xi32, #tpu.memory_space<vmem>>, vector<16xi32>,
      %scan3A_460 = arith.constant 0 : i32
      scf.yield %scan3A_460 : i32
    }
    %scan3A_137 = arith.constant 256 : i32
    %dma_start3A_138 = arith.constant 0 : i32
    %dma_start3A_139 = tpu.memref_slice %arg2[%dma_start3A_138] : memref<67108864xf32, #tpu.memory_space<hbm>> -> memref<67108864xf32, #tpu.memory_space<hbm>>
    tpu.enqueue_indirect_dma source(%dma_start3A_139 : memref<67108864xf32, #tpu.memory_space<hbm>>) target(%arg14 : memref<4096xf32, #tpu.memory_space<vmem>>) offsets(%arg12 : memref<4096xi32, #tpu.memory_space<vmem>>) semaphore(%arg16 : memref<!tpu.dma_semaphore, #tpu.memory_space<semaphore_mem>>)
    %dma_wait3A_140 = arith.constant 0 : i32
    %dma_wait3A_141 = tpu.memref_slice %arg2[%dma_wait3A_140] : memref<67108864xf32, #tpu.memory_space<hbm>> -> memref<67108864xf32, #tpu.memory_space<hbm>>
    tpu.wait_indirect_dma semaphore(%arg15 : memref<!tpu.dma_semaphore, #tpu.memory_space<semaphore_mem>>) src(%dma_wait3A_141 : memref<67108864xf32, #tpu.memory_space<hbm>>) dst(%arg13 : memref<4096xf32, #tpu.memory_space<vmem>>)
    %get3A_142 = arith.constant 4 : i32
    %get3A_143 = arith.index_cast %get3A_142 : i32 to index
    %get3A_144 = arith.constant 0 : index
    %get3A_145 = tpu.vector_load %arg8[%get3A_143, %get3A_144] {strides = array<i32>} : memref<16x16xf32, #tpu.memory_space<vmem>>, vector<1x16xf32>,
    %get3A_146 = vector.shape_cast %get3A_145 : vector<1x16xf32> to vector<16xf32>
    %scan3A_147 = arith.constant 0 : i32
    %scan3A_148 = arith.constant 0 : i32
    %scan3A_149 = arith.constant 256 : i32
    %scan3A_150 = arith.addi %scan3A_148, %scan3A_149 : i32
    %scan3A_151 = arith.constant 1 : i32
    %scan3A_152 = scf.for %scan3A_448 = %scan3A_148 to %scan3A_150 step %scan3A_151 iter_args(%scan3A_449 = %scan3A_147) -> (i32)  : i32 {
      %mul3A_450 = arith.constant 16 : i32
      %mul3A_451 = arith.muli %scan3A_448, %mul3A_450 : i32
      %get3A_452 = arith.index_cast %mul3A_451 : i32 to index
      %get3A_453 = tpu.vector_load %arg10[%get3A_452] {strides = array<i32>} : memref<4096xf32, #tpu.memory_space<vmem>>, vector<16xf32>,
      %get3A_454 = vector.shape_cast %get3A_453 : vector<16xf32> to vector<16xf32>
      %get3A_455 = arith.index_cast %mul3A_451 : i32 to index
      %get3A_456 = tpu.vector_load %arg13[%get3A_455] {strides = array<i32>} : memref<4096xf32, #tpu.memory_space<vmem>>, vector<16xf32>,
      %get3A_457 = vector.shape_cast %get3A_456 : vector<16xf32> to vector<16xf32>
      %mul3A_458 = arith.mulf %get3A_146, %get3A_457 : vector<16xf32>
      %add3A_459 = arith.addf %get3A_454, %mul3A_458 : vector<16xf32>
      %swap3A = arith.index_cast %mul3A_451 : i32 to index
      %swap3A_460 = tpu.vector_load %arg10[%swap3A] {strides = array<i32>} : memref<4096xf32, #tpu.memory_space<vmem>>, vector<16xf32>,
      %swap3A_461 = vector.shape_cast %swap3A_460 : vector<16xf32> to vector<16xf32>
      %swap3A_462 = vector.shape_cast %add3A_459 : vector<16xf32> to vector<16xf32>
      tpu.vector_store %arg10[%swap3A], %swap3A_462 {strides = array<i32>} : memref<4096xf32, #tpu.memory_space<vmem>>, vector<16xf32>,
      %scan3A_463 = arith.constant 0 : i32
      scf.yield %scan3A_463 : i32
    }
    %scan3A_153 = arith.constant 256 : i32
    %get3A_154 = arith.constant 6 : i32
    %get3A_155 = arith.index_cast %get3A_154 : i32 to index
    %get3A_156 = arith.constant 0 : index
    %get3A_157 = tpu.vector_load %arg7[%get3A_155, %get3A_156] {strides = array<i32>} : memref<16x16xi32, #tpu.memory_space<vmem>>, vector<1x16xi32>,
    %get3A_158 = vector.shape_cast %get3A_157 : vector<1x16xi32> to vector<16xi32>
    %scan3A_159 = arith.constant 0 : i32
    %scan3A_160 = arith.constant 0 : i32
    %scan3A_161 = arith.constant 256 : i32
    %scan3A_162 = arith.addi %scan3A_160, %scan3A_161 : i32
    %scan3A_163 = arith.constant 1 : i32
    %scan3A_164 = scf.for %scan3A_448 = %scan3A_160 to %scan3A_162 step %scan3A_163 iter_args(%scan3A_449 = %scan3A_159) -> (i32)  : i32 {
      %mul3A_450 = arith.constant 262144 : i32
      %mul3A_451 = arith.muli %scan3A_448, %mul3A_450 : i32
      %add3A_452 = vector.broadcast %mul3A_451 : i32 to vector<16xi32>
      %add3A_453 = arith.addi %mul3A_3, %add3A_452 : vector<16xi32>
      %add3A_454 = arith.addi %add3A_453, %get3A_158 : vector<16xi32>
      %mul3A_455 = arith.constant 16 : i32
      %mul3A_456 = arith.muli %scan3A_448, %mul3A_455 : i32
      %swap3A = arith.index_cast %mul3A_456 : i32 to index
      %swap3A_457 = tpu.vector_load %arg11[%swap3A] {strides = array<i32>} : memref<4096xi32, #tpu.memory_space<vmem>>, vector<16xi32>,
      %swap3A_458 = vector.shape_cast %swap3A_457 : vector<16xi32> to vector<16xi32>
      %swap3A_459 = vector.shape_cast %add3A_454 : vector<16xi32> to vector<16xi32>
      tpu.vector_store %arg11[%swap3A], %swap3A_459 {strides = array<i32>} : memref<4096xi32, #tpu.memory_space<vmem>>, vector<16xi32>,
      %scan3A_460 = arith.constant 0 : i32
      scf.yield %scan3A_460 : i32
    }
    %scan3A_165 = arith.constant 256 : i32
    %dma_start3A_166 = arith.constant 0 : i32
    %dma_start3A_167 = tpu.memref_slice %arg2[%dma_start3A_166] : memref<67108864xf32, #tpu.memory_space<hbm>> -> memref<67108864xf32, #tpu.memory_space<hbm>>
    tpu.enqueue_indirect_dma source(%dma_start3A_167 : memref<67108864xf32, #tpu.memory_space<hbm>>) target(%arg13 : memref<4096xf32, #tpu.memory_space<vmem>>) offsets(%arg11 : memref<4096xi32, #tpu.memory_space<vmem>>) semaphore(%arg15 : memref<!tpu.dma_semaphore, #tpu.memory_space<semaphore_mem>>)
    %dma_wait3A_168 = arith.constant 0 : i32
    %dma_wait3A_169 = tpu.memref_slice %arg2[%dma_wait3A_168] : memref<67108864xf32, #tpu.memory_space<hbm>> -> memref<67108864xf32, #tpu.memory_space<hbm>>
    tpu.wait_indirect_dma semaphore(%arg16 : memref<!tpu.dma_semaphore, #tpu.memory_space<semaphore_mem>>) src(%dma_wait3A_169 : memref<67108864xf32, #tpu.memory_space<hbm>>) dst(%arg14 : memref<4096xf32, #tpu.memory_space<vmem>>)
    %get3A_170 = arith.constant 5 : i32
    %get3A_171 = arith.index_cast %get3A_170 : i32 to index
    %get3A_172 = arith.constant 0 : index
    %get3A_173 = tpu.vector_load %arg8[%get3A_171, %get3A_172] {strides = array<i32>} : memref<16x16xf32, #tpu.memory_space<vmem>>, vector<1x16xf32>,
    %get3A_174 = vector.shape_cast %get3A_173 : vector<1x16xf32> to vector<16xf32>
    %scan3A_175 = arith.constant 0 : i32
    %scan3A_176 = arith.constant 0 : i32
    %scan3A_177 = arith.constant 256 : i32
    %scan3A_178 = arith.addi %scan3A_176, %scan3A_177 : i32
    %scan3A_179 = arith.constant 1 : i32
    %scan3A_180 = scf.for %scan3A_448 = %scan3A_176 to %scan3A_178 step %scan3A_179 iter_args(%scan3A_449 = %scan3A_175) -> (i32)  : i32 {
      %mul3A_450 = arith.constant 16 : i32
      %mul3A_451 = arith.muli %scan3A_448, %mul3A_450 : i32
      %get3A_452 = arith.index_cast %mul3A_451 : i32 to index
      %get3A_453 = tpu.vector_load %arg10[%get3A_452] {strides = array<i32>} : memref<4096xf32, #tpu.memory_space<vmem>>, vector<16xf32>,
      %get3A_454 = vector.shape_cast %get3A_453 : vector<16xf32> to vector<16xf32>
      %get3A_455 = arith.index_cast %mul3A_451 : i32 to index
      %get3A_456 = tpu.vector_load %arg14[%get3A_455] {strides = array<i32>} : memref<4096xf32, #tpu.memory_space<vmem>>, vector<16xf32>,
      %get3A_457 = vector.shape_cast %get3A_456 : vector<16xf32> to vector<16xf32>
      %mul3A_458 = arith.mulf %get3A_174, %get3A_457 : vector<16xf32>
      %add3A_459 = arith.addf %get3A_454, %mul3A_458 : vector<16xf32>
      %swap3A = arith.index_cast %mul3A_451 : i32 to index
      %swap3A_460 = tpu.vector_load %arg10[%swap3A] {strides = array<i32>} : memref<4096xf32, #tpu.memory_space<vmem>>, vector<16xf32>,
      %swap3A_461 = vector.shape_cast %swap3A_460 : vector<16xf32> to vector<16xf32>
      %swap3A_462 = vector.shape_cast %add3A_459 : vector<16xf32> to vector<16xf32>
      tpu.vector_store %arg10[%swap3A], %swap3A_462 {strides = array<i32>} : memref<4096xf32, #tpu.memory_space<vmem>>, vector<16xf32>,
      %scan3A_463 = arith.constant 0 : i32
      scf.yield %scan3A_463 : i32
    }
    %scan3A_181 = arith.constant 256 : i32
    %get3A_182 = arith.constant 7 : i32
    %get3A_183 = arith.index_cast %get3A_182 : i32 to index
    %get3A_184 = arith.constant 0 : index
    %get3A_185 = tpu.vector_load %arg7[%get3A_183, %get3A_184] {strides = array<i32>} : memref<16x16xi32, #tpu.memory_space<vmem>>, vector<1x16xi32>,
    %get3A_186 = vector.shape_cast %get3A_185 : vector<1x16xi32> to vector<16xi32>
    %scan3A_187 = arith.constant 0 : i32
    %scan3A_188 = arith.constant 0 : i32
    %scan3A_189 = arith.constant 256 : i32
    %scan3A_190 = arith.addi %scan3A_188, %scan3A_189 : i32
    %scan3A_191 = arith.constant 1 : i32
    %scan3A_192 = scf.for %scan3A_448 = %scan3A_188 to %scan3A_190 step %scan3A_191 iter_args(%scan3A_449 = %scan3A_187) -> (i32)  : i32 {
      %mul3A_450 = arith.constant 262144 : i32
      %mul3A_451 = arith.muli %scan3A_448, %mul3A_450 : i32
      %add3A_452 = vector.broadcast %mul3A_451 : i32 to vector<16xi32>
      %add3A_453 = arith.addi %mul3A_3, %add3A_452 : vector<16xi32>
      %add3A_454 = arith.addi %add3A_453, %get3A_186 : vector<16xi32>
      %mul3A_455 = arith.constant 16 : i32
      %mul3A_456 = arith.muli %scan3A_448, %mul3A_455 : i32
      %swap3A = arith.index_cast %mul3A_456 : i32 to index
      %swap3A_457 = tpu.vector_load %arg12[%swap3A] {strides = array<i32>} : memref<4096xi32, #tpu.memory_space<vmem>>, vector<16xi32>,
      %swap3A_458 = vector.shape_cast %swap3A_457 : vector<16xi32> to vector<16xi32>
      %swap3A_459 = vector.shape_cast %add3A_454 : vector<16xi32> to vector<16xi32>
      tpu.vector_store %arg12[%swap3A], %swap3A_459 {strides = array<i32>} : memref<4096xi32, #tpu.memory_space<vmem>>, vector<16xi32>,
      %scan3A_460 = arith.constant 0 : i32
      scf.yield %scan3A_460 : i32
    }
    %scan3A_193 = arith.constant 256 : i32
    %dma_start3A_194 = arith.constant 0 : i32
    %dma_start3A_195 = tpu.memref_slice %arg2[%dma_start3A_194] : memref<67108864xf32, #tpu.memory_space<hbm>> -> memref<67108864xf32, #tpu.memory_space<hbm>>
    tpu.enqueue_indirect_dma source(%dma_start3A_195 : memref<67108864xf32, #tpu.memory_space<hbm>>) target(%arg14 : memref<4096xf32, #tpu.memory_space<vmem>>) offsets(%arg12 : memref<4096xi32, #tpu.memory_space<vmem>>) semaphore(%arg16 : memref<!tpu.dma_semaphore, #tpu.memory_space<semaphore_mem>>)
    %dma_wait3A_196 = arith.constant 0 : i32
    %dma_wait3A_197 = tpu.memref_slice %arg2[%dma_wait3A_196] : memref<67108864xf32, #tpu.memory_space<hbm>> -> memref<67108864xf32, #tpu.memory_space<hbm>>
    tpu.wait_indirect_dma semaphore(%arg15 : memref<!tpu.dma_semaphore, #tpu.memory_space<semaphore_mem>>) src(%dma_wait3A_197 : memref<67108864xf32, #tpu.memory_space<hbm>>) dst(%arg13 : memref<4096xf32, #tpu.memory_space<vmem>>)
    %get3A_198 = arith.constant 6 : i32
    %get3A_199 = arith.index_cast %get3A_198 : i32 to index
    %get3A_200 = arith.constant 0 : index
    %get3A_201 = tpu.vector_load %arg8[%get3A_199, %get3A_200] {strides = array<i32>} : memref<16x16xf32, #tpu.memory_space<vmem>>, vector<1x16xf32>,
    %get3A_202 = vector.shape_cast %get3A_201 : vector<1x16xf32> to vector<16xf32>
    %scan3A_203 = arith.constant 0 : i32
    %scan3A_204 = arith.constant 0 : i32
    %scan3A_205 = arith.constant 256 : i32
    %scan3A_206 = arith.addi %scan3A_204, %scan3A_205 : i32
    %scan3A_207 = arith.constant 1 : i32
    %scan3A_208 = scf.for %scan3A_448 = %scan3A_204 to %scan3A_206 step %scan3A_207 iter_args(%scan3A_449 = %scan3A_203) -> (i32)  : i32 {
      %mul3A_450 = arith.constant 16 : i32
      %mul3A_451 = arith.muli %scan3A_448, %mul3A_450 : i32
      %get3A_452 = arith.index_cast %mul3A_451 : i32 to index
      %get3A_453 = tpu.vector_load %arg10[%get3A_452] {strides = array<i32>} : memref<4096xf32, #tpu.memory_space<vmem>>, vector<16xf32>,
      %get3A_454 = vector.shape_cast %get3A_453 : vector<16xf32> to vector<16xf32>
      %get3A_455 = arith.index_cast %mul3A_451 : i32 to index
      %get3A_456 = tpu.vector_load %arg13[%get3A_455] {strides = array<i32>} : memref<4096xf32, #tpu.memory_space<vmem>>, vector<16xf32>,
      %get3A_457 = vector.shape_cast %get3A_456 : vector<16xf32> to vector<16xf32>
      %mul3A_458 = arith.mulf %get3A_202, %get3A_457 : vector<16xf32>
      %add3A_459 = arith.addf %get3A_454, %mul3A_458 : vector<16xf32>
      %swap3A = arith.index_cast %mul3A_451 : i32 to index
      %swap3A_460 = tpu.vector_load %arg10[%swap3A] {strides = array<i32>} : memref<4096xf32, #tpu.memory_space<vmem>>, vector<16xf32>,
      %swap3A_461 = vector.shape_cast %swap3A_460 : vector<16xf32> to vector<16xf32>
      %swap3A_462 = vector.shape_cast %add3A_459 : vector<16xf32> to vector<16xf32>
      tpu.vector_store %arg10[%swap3A], %swap3A_462 {strides = array<i32>} : memref<4096xf32, #tpu.memory_space<vmem>>, vector<16xf32>,
      %scan3A_463 = arith.constant 0 : i32
      scf.yield %scan3A_463 : i32
    }
    %scan3A_209 = arith.constant 256 : i32
    %get3A_210 = arith.constant 8 : i32
    %get3A_211 = arith.index_cast %get3A_210 : i32 to index
    %get3A_212 = arith.constant 0 : index
    %get3A_213 = tpu.vector_load %arg7[%get3A_211, %get3A_212] {strides = array<i32>} : memref<16x16xi32, #tpu.memory_space<vmem>>, vector<1x16xi32>,
    %get3A_214 = vector.shape_cast %get3A_213 : vector<1x16xi32> to vector<16xi32>
    %scan3A_215 = arith.constant 0 : i32
    %scan3A_216 = arith.constant 0 : i32
    %scan3A_217 = arith.constant 256 : i32
    %scan3A_218 = arith.addi %scan3A_216, %scan3A_217 : i32
    %scan3A_219 = arith.constant 1 : i32
    %scan3A_220 = scf.for %scan3A_448 = %scan3A_216 to %scan3A_218 step %scan3A_219 iter_args(%scan3A_449 = %scan3A_215) -> (i32)  : i32 {
      %mul3A_450 = arith.constant 262144 : i32
      %mul3A_451 = arith.muli %scan3A_448, %mul3A_450 : i32
      %add3A_452 = vector.broadcast %mul3A_451 : i32 to vector<16xi32>
      %add3A_453 = arith.addi %mul3A_3, %add3A_452 : vector<16xi32>
      %add3A_454 = arith.addi %add3A_453, %get3A_214 : vector<16xi32>
      %mul3A_455 = arith.constant 16 : i32
      %mul3A_456 = arith.muli %scan3A_448, %mul3A_455 : i32
      %swap3A = arith.index_cast %mul3A_456 : i32 to index
      %swap3A_457 = tpu.vector_load %arg11[%swap3A] {strides = array<i32>} : memref<4096xi32, #tpu.memory_space<vmem>>, vector<16xi32>,
      %swap3A_458 = vector.shape_cast %swap3A_457 : vector<16xi32> to vector<16xi32>
      %swap3A_459 = vector.shape_cast %add3A_454 : vector<16xi32> to vector<16xi32>
      tpu.vector_store %arg11[%swap3A], %swap3A_459 {strides = array<i32>} : memref<4096xi32, #tpu.memory_space<vmem>>, vector<16xi32>,
      %scan3A_460 = arith.constant 0 : i32
      scf.yield %scan3A_460 : i32
    }
    %scan3A_221 = arith.constant 256 : i32
    %dma_start3A_222 = arith.constant 0 : i32
    %dma_start3A_223 = tpu.memref_slice %arg2[%dma_start3A_222] : memref<67108864xf32, #tpu.memory_space<hbm>> -> memref<67108864xf32, #tpu.memory_space<hbm>>
    tpu.enqueue_indirect_dma source(%dma_start3A_223 : memref<67108864xf32, #tpu.memory_space<hbm>>) target(%arg13 : memref<4096xf32, #tpu.memory_space<vmem>>) offsets(%arg11 : memref<4096xi32, #tpu.memory_space<vmem>>) semaphore(%arg15 : memref<!tpu.dma_semaphore, #tpu.memory_space<semaphore_mem>>)
    %dma_wait3A_224 = arith.constant 0 : i32
    %dma_wait3A_225 = tpu.memref_slice %arg2[%dma_wait3A_224] : memref<67108864xf32, #tpu.memory_space<hbm>> -> memref<67108864xf32, #tpu.memory_space<hbm>>
    tpu.wait_indirect_dma semaphore(%arg16 : memref<!tpu.dma_semaphore, #tpu.memory_space<semaphore_mem>>) src(%dma_wait3A_225 : memref<67108864xf32, #tpu.memory_space<hbm>>) dst(%arg14 : memref<4096xf32, #tpu.memory_space<vmem>>)
    %get3A_226 = arith.constant 7 : i32
    %get3A_227 = arith.index_cast %get3A_226 : i32 to index
    %get3A_228 = arith.constant 0 : index
    %get3A_229 = tpu.vector_load %arg8[%get3A_227, %get3A_228] {strides = array<i32>} : memref<16x16xf32, #tpu.memory_space<vmem>>, vector<1x16xf32>,
    %get3A_230 = vector.shape_cast %get3A_229 : vector<1x16xf32> to vector<16xf32>
    %scan3A_231 = arith.constant 0 : i32
    %scan3A_232 = arith.constant 0 : i32
    %scan3A_233 = arith.constant 256 : i32
    %scan3A_234 = arith.addi %scan3A_232, %scan3A_233 : i32
    %scan3A_235 = arith.constant 1 : i32
    %scan3A_236 = scf.for %scan3A_448 = %scan3A_232 to %scan3A_234 step %scan3A_235 iter_args(%scan3A_449 = %scan3A_231) -> (i32)  : i32 {
      %mul3A_450 = arith.constant 16 : i32
      %mul3A_451 = arith.muli %scan3A_448, %mul3A_450 : i32
      %get3A_452 = arith.index_cast %mul3A_451 : i32 to index
      %get3A_453 = tpu.vector_load %arg10[%get3A_452] {strides = array<i32>} : memref<4096xf32, #tpu.memory_space<vmem>>, vector<16xf32>,
      %get3A_454 = vector.shape_cast %get3A_453 : vector<16xf32> to vector<16xf32>
      %get3A_455 = arith.index_cast %mul3A_451 : i32 to index
      %get3A_456 = tpu.vector_load %arg14[%get3A_455] {strides = array<i32>} : memref<4096xf32, #tpu.memory_space<vmem>>, vector<16xf32>,
      %get3A_457 = vector.shape_cast %get3A_456 : vector<16xf32> to vector<16xf32>
      %mul3A_458 = arith.mulf %get3A_230, %get3A_457 : vector<16xf32>
      %add3A_459 = arith.addf %get3A_454, %mul3A_458 : vector<16xf32>
      %swap3A = arith.index_cast %mul3A_451 : i32 to index
      %swap3A_460 = tpu.vector_load %arg10[%swap3A] {strides = array<i32>} : memref<4096xf32, #tpu.memory_space<vmem>>, vector<16xf32>,
      %swap3A_461 = vector.shape_cast %swap3A_460 : vector<16xf32> to vector<16xf32>
      %swap3A_462 = vector.shape_cast %add3A_459 : vector<16xf32> to vector<16xf32>
      tpu.vector_store %arg10[%swap3A], %swap3A_462 {strides = array<i32>} : memref<4096xf32, #tpu.memory_space<vmem>>, vector<16xf32>,
      %scan3A_463 = arith.constant 0 : i32
      scf.yield %scan3A_463 : i32
    }
    %scan3A_237 = arith.constant 256 : i32
    %get3A_238 = arith.constant 9 : i32
    %get3A_239 = arith.index_cast %get3A_238 : i32 to index
    %get3A_240 = arith.constant 0 : index
    %get3A_241 = tpu.vector_load %arg7[%get3A_239, %get3A_240] {strides = array<i32>} : memref<16x16xi32, #tpu.memory_space<vmem>>, vector<1x16xi32>,
    %get3A_242 = vector.shape_cast %get3A_241 : vector<1x16xi32> to vector<16xi32>
    %scan3A_243 = arith.constant 0 : i32
    %scan3A_244 = arith.constant 0 : i32
    %scan3A_245 = arith.constant 256 : i32
    %scan3A_246 = arith.addi %scan3A_244, %scan3A_245 : i32
    %scan3A_247 = arith.constant 1 : i32
    %scan3A_248 = scf.for %scan3A_448 = %scan3A_244 to %scan3A_246 step %scan3A_247 iter_args(%scan3A_449 = %scan3A_243) -> (i32)  : i32 {
      %mul3A_450 = arith.constant 262144 : i32
      %mul3A_451 = arith.muli %scan3A_448, %mul3A_450 : i32
      %add3A_452 = vector.broadcast %mul3A_451 : i32 to vector<16xi32>
      %add3A_453 = arith.addi %mul3A_3, %add3A_452 : vector<16xi32>
      %add3A_454 = arith.addi %add3A_453, %get3A_242 : vector<16xi32>
      %mul3A_455 = arith.constant 16 : i32
      %mul3A_456 = arith.muli %scan3A_448, %mul3A_455 : i32
      %swap3A = arith.index_cast %mul3A_456 : i32 to index
      %swap3A_457 = tpu.vector_load %arg12[%swap3A] {strides = array<i32>} : memref<4096xi32, #tpu.memory_space<vmem>>, vector<16xi32>,
      %swap3A_458 = vector.shape_cast %swap3A_457 : vector<16xi32> to vector<16xi32>
      %swap3A_459 = vector.shape_cast %add3A_454 : vector<16xi32> to vector<16xi32>
      tpu.vector_store %arg12[%swap3A], %swap3A_459 {strides = array<i32>} : memref<4096xi32, #tpu.memory_space<vmem>>, vector<16xi32>,
      %scan3A_460 = arith.constant 0 : i32
      scf.yield %scan3A_460 : i32
    }
    %scan3A_249 = arith.constant 256 : i32
    %dma_start3A_250 = arith.constant 0 : i32
    %dma_start3A_251 = tpu.memref_slice %arg2[%dma_start3A_250] : memref<67108864xf32, #tpu.memory_space<hbm>> -> memref<67108864xf32, #tpu.memory_space<hbm>>
    tpu.enqueue_indirect_dma source(%dma_start3A_251 : memref<67108864xf32, #tpu.memory_space<hbm>>) target(%arg14 : memref<4096xf32, #tpu.memory_space<vmem>>) offsets(%arg12 : memref<4096xi32, #tpu.memory_space<vmem>>) semaphore(%arg16 : memref<!tpu.dma_semaphore, #tpu.memory_space<semaphore_mem>>)
    %dma_wait3A_252 = arith.constant 0 : i32
    %dma_wait3A_253 = tpu.memref_slice %arg2[%dma_wait3A_252] : memref<67108864xf32, #tpu.memory_space<hbm>> -> memref<67108864xf32, #tpu.memory_space<hbm>>
    tpu.wait_indirect_dma semaphore(%arg15 : memref<!tpu.dma_semaphore, #tpu.memory_space<semaphore_mem>>) src(%dma_wait3A_253 : memref<67108864xf32, #tpu.memory_space<hbm>>) dst(%arg13 : memref<4096xf32, #tpu.memory_space<vmem>>)
    %get3A_254 = arith.constant 8 : i32
    %get3A_255 = arith.index_cast %get3A_254 : i32 to index
    %get3A_256 = arith.constant 0 : index
    %get3A_257 = tpu.vector_load %arg8[%get3A_255, %get3A_256] {strides = array<i32>} : memref<16x16xf32, #tpu.memory_space<vmem>>, vector<1x16xf32>,
    %get3A_258 = vector.shape_cast %get3A_257 : vector<1x16xf32> to vector<16xf32>
    %scan3A_259 = arith.constant 0 : i32
    %scan3A_260 = arith.constant 0 : i32
    %scan3A_261 = arith.constant 256 : i32
    %scan3A_262 = arith.addi %scan3A_260, %scan3A_261 : i32
    %scan3A_263 = arith.constant 1 : i32
    %scan3A_264 = scf.for %scan3A_448 = %scan3A_260 to %scan3A_262 step %scan3A_263 iter_args(%scan3A_449 = %scan3A_259) -> (i32)  : i32 {
      %mul3A_450 = arith.constant 16 : i32
      %mul3A_451 = arith.muli %scan3A_448, %mul3A_450 : i32
      %get3A_452 = arith.index_cast %mul3A_451 : i32 to index
      %get3A_453 = tpu.vector_load %arg10[%get3A_452] {strides = array<i32>} : memref<4096xf32, #tpu.memory_space<vmem>>, vector<16xf32>,
      %get3A_454 = vector.shape_cast %get3A_453 : vector<16xf32> to vector<16xf32>
      %get3A_455 = arith.index_cast %mul3A_451 : i32 to index
      %get3A_456 = tpu.vector_load %arg13[%get3A_455] {strides = array<i32>} : memref<4096xf32, #tpu.memory_space<vmem>>, vector<16xf32>,
      %get3A_457 = vector.shape_cast %get3A_456 : vector<16xf32> to vector<16xf32>
      %mul3A_458 = arith.mulf %get3A_258, %get3A_457 : vector<16xf32>
      %add3A_459 = arith.addf %get3A_454, %mul3A_458 : vector<16xf32>
      %swap3A = arith.index_cast %mul3A_451 : i32 to index
      %swap3A_460 = tpu.vector_load %arg10[%swap3A] {strides = array<i32>} : memref<4096xf32, #tpu.memory_space<vmem>>, vector<16xf32>,
      %swap3A_461 = vector.shape_cast %swap3A_460 : vector<16xf32> to vector<16xf32>
      %swap3A_462 = vector.shape_cast %add3A_459 : vector<16xf32> to vector<16xf32>
      tpu.vector_store %arg10[%swap3A], %swap3A_462 {strides = array<i32>} : memref<4096xf32, #tpu.memory_space<vmem>>, vector<16xf32>,
      %scan3A_463 = arith.constant 0 : i32
      scf.yield %scan3A_463 : i32
    }
    %scan3A_265 = arith.constant 256 : i32
    %get3A_266 = arith.constant 10 : i32
    %get3A_267 = arith.index_cast %get3A_266 : i32 to index
    %get3A_268 = arith.constant 0 : index
    %get3A_269 = tpu.vector_load %arg7[%get3A_267, %get3A_268] {strides = array<i32>} : memref<16x16xi32, #tpu.memory_space<vmem>>, vector<1x16xi32>,
    %get3A_270 = vector.shape_cast %get3A_269 : vector<1x16xi32> to vector<16xi32>
    %scan3A_271 = arith.constant 0 : i32
    %scan3A_272 = arith.constant 0 : i32
    %scan3A_273 = arith.constant 256 : i32
    %scan3A_274 = arith.addi %scan3A_272, %scan3A_273 : i32
    %scan3A_275 = arith.constant 1 : i32
    %scan3A_276 = scf.for %scan3A_448 = %scan3A_272 to %scan3A_274 step %scan3A_275 iter_args(%scan3A_449 = %scan3A_271) -> (i32)  : i32 {
      %mul3A_450 = arith.constant 262144 : i32
      %mul3A_451 = arith.muli %scan3A_448, %mul3A_450 : i32
      %add3A_452 = vector.broadcast %mul3A_451 : i32 to vector<16xi32>
      %add3A_453 = arith.addi %mul3A_3, %add3A_452 : vector<16xi32>
      %add3A_454 = arith.addi %add3A_453, %get3A_270 : vector<16xi32>
      %mul3A_455 = arith.constant 16 : i32
      %mul3A_456 = arith.muli %scan3A_448, %mul3A_455 : i32
      %swap3A = arith.index_cast %mul3A_456 : i32 to index
      %swap3A_457 = tpu.vector_load %arg11[%swap3A] {strides = array<i32>} : memref<4096xi32, #tpu.memory_space<vmem>>, vector<16xi32>,
      %swap3A_458 = vector.shape_cast %swap3A_457 : vector<16xi32> to vector<16xi32>
      %swap3A_459 = vector.shape_cast %add3A_454 : vector<16xi32> to vector<16xi32>
      tpu.vector_store %arg11[%swap3A], %swap3A_459 {strides = array<i32>} : memref<4096xi32, #tpu.memory_space<vmem>>, vector<16xi32>,
      %scan3A_460 = arith.constant 0 : i32
      scf.yield %scan3A_460 : i32
    }
    %scan3A_277 = arith.constant 256 : i32
    %dma_start3A_278 = arith.constant 0 : i32
    %dma_start3A_279 = tpu.memref_slice %arg2[%dma_start3A_278] : memref<67108864xf32, #tpu.memory_space<hbm>> -> memref<67108864xf32, #tpu.memory_space<hbm>>
    tpu.enqueue_indirect_dma source(%dma_start3A_279 : memref<67108864xf32, #tpu.memory_space<hbm>>) target(%arg13 : memref<4096xf32, #tpu.memory_space<vmem>>) offsets(%arg11 : memref<4096xi32, #tpu.memory_space<vmem>>) semaphore(%arg15 : memref<!tpu.dma_semaphore, #tpu.memory_space<semaphore_mem>>)
    %dma_wait3A_280 = arith.constant 0 : i32
    %dma_wait3A_281 = tpu.memref_slice %arg2[%dma_wait3A_280] : memref<67108864xf32, #tpu.memory_space<hbm>> -> memref<67108864xf32, #tpu.memory_space<hbm>>
    tpu.wait_indirect_dma semaphore(%arg16 : memref<!tpu.dma_semaphore, #tpu.memory_space<semaphore_mem>>) src(%dma_wait3A_281 : memref<67108864xf32, #tpu.memory_space<hbm>>) dst(%arg14 : memref<4096xf32, #tpu.memory_space<vmem>>)
    %get3A_282 = arith.constant 9 : i32
    %get3A_283 = arith.index_cast %get3A_282 : i32 to index
    %get3A_284 = arith.constant 0 : index
    %get3A_285 = tpu.vector_load %arg8[%get3A_283, %get3A_284] {strides = array<i32>} : memref<16x16xf32, #tpu.memory_space<vmem>>, vector<1x16xf32>,
    %get3A_286 = vector.shape_cast %get3A_285 : vector<1x16xf32> to vector<16xf32>
    %scan3A_287 = arith.constant 0 : i32
    %scan3A_288 = arith.constant 0 : i32
    %scan3A_289 = arith.constant 256 : i32
    %scan3A_290 = arith.addi %scan3A_288, %scan3A_289 : i32
    %scan3A_291 = arith.constant 1 : i32
    %scan3A_292 = scf.for %scan3A_448 = %scan3A_288 to %scan3A_290 step %scan3A_291 iter_args(%scan3A_449 = %scan3A_287) -> (i32)  : i32 {
      %mul3A_450 = arith.constant 16 : i32
      %mul3A_451 = arith.muli %scan3A_448, %mul3A_450 : i32
      %get3A_452 = arith.index_cast %mul3A_451 : i32 to index
      %get3A_453 = tpu.vector_load %arg10[%get3A_452] {strides = array<i32>} : memref<4096xf32, #tpu.memory_space<vmem>>, vector<16xf32>,
      %get3A_454 = vector.shape_cast %get3A_453 : vector<16xf32> to vector<16xf32>
      %get3A_455 = arith.index_cast %mul3A_451 : i32 to index
      %get3A_456 = tpu.vector_load %arg14[%get3A_455] {strides = array<i32>} : memref<4096xf32, #tpu.memory_space<vmem>>, vector<16xf32>,
      %get3A_457 = vector.shape_cast %get3A_456 : vector<16xf32> to vector<16xf32>
      %mul3A_458 = arith.mulf %get3A_286, %get3A_457 : vector<16xf32>
      %add3A_459 = arith.addf %get3A_454, %mul3A_458 : vector<16xf32>
      %swap3A = arith.index_cast %mul3A_451 : i32 to index
      %swap3A_460 = tpu.vector_load %arg10[%swap3A] {strides = array<i32>} : memref<4096xf32, #tpu.memory_space<vmem>>, vector<16xf32>,
      %swap3A_461 = vector.shape_cast %swap3A_460 : vector<16xf32> to vector<16xf32>
      %swap3A_462 = vector.shape_cast %add3A_459 : vector<16xf32> to vector<16xf32>
      tpu.vector_store %arg10[%swap3A], %swap3A_462 {strides = array<i32>} : memref<4096xf32, #tpu.memory_space<vmem>>, vector<16xf32>,
      %scan3A_463 = arith.constant 0 : i32
      scf.yield %scan3A_463 : i32
    }
    %scan3A_293 = arith.constant 256 : i32
    %get3A_294 = arith.constant 11 : i32
    %get3A_295 = arith.index_cast %get3A_294 : i32 to index
    %get3A_296 = arith.constant 0 : index
    %get3A_297 = tpu.vector_load %arg7[%get3A_295, %get3A_296] {strides = array<i32>} : memref<16x16xi32, #tpu.memory_space<vmem>>, vector<1x16xi32>,
    %get3A_298 = vector.shape_cast %get3A_297 : vector<1x16xi32> to vector<16xi32>
    %scan3A_299 = arith.constant 0 : i32
    %scan3A_300 = arith.constant 0 : i32
    %scan3A_301 = arith.constant 256 : i32
    %scan3A_302 = arith.addi %scan3A_300, %scan3A_301 : i32
    %scan3A_303 = arith.constant 1 : i32
    %scan3A_304 = scf.for %scan3A_448 = %scan3A_300 to %scan3A_302 step %scan3A_303 iter_args(%scan3A_449 = %scan3A_299) -> (i32)  : i32 {
      %mul3A_450 = arith.constant 262144 : i32
      %mul3A_451 = arith.muli %scan3A_448, %mul3A_450 : i32
      %add3A_452 = vector.broadcast %mul3A_451 : i32 to vector<16xi32>
      %add3A_453 = arith.addi %mul3A_3, %add3A_452 : vector<16xi32>
      %add3A_454 = arith.addi %add3A_453, %get3A_298 : vector<16xi32>
      %mul3A_455 = arith.constant 16 : i32
      %mul3A_456 = arith.muli %scan3A_448, %mul3A_455 : i32
      %swap3A = arith.index_cast %mul3A_456 : i32 to index
      %swap3A_457 = tpu.vector_load %arg12[%swap3A] {strides = array<i32>} : memref<4096xi32, #tpu.memory_space<vmem>>, vector<16xi32>,
      %swap3A_458 = vector.shape_cast %swap3A_457 : vector<16xi32> to vector<16xi32>
      %swap3A_459 = vector.shape_cast %add3A_454 : vector<16xi32> to vector<16xi32>
      tpu.vector_store %arg12[%swap3A], %swap3A_459 {strides = array<i32>} : memref<4096xi32, #tpu.memory_space<vmem>>, vector<16xi32>,
      %scan3A_460 = arith.constant 0 : i32
      scf.yield %scan3A_460 : i32
    }
    %scan3A_305 = arith.constant 256 : i32
    %dma_start3A_306 = arith.constant 0 : i32
    %dma_start3A_307 = tpu.memref_slice %arg2[%dma_start3A_306] : memref<67108864xf32, #tpu.memory_space<hbm>> -> memref<67108864xf32, #tpu.memory_space<hbm>>
    tpu.enqueue_indirect_dma source(%dma_start3A_307 : memref<67108864xf32, #tpu.memory_space<hbm>>) target(%arg14 : memref<4096xf32, #tpu.memory_space<vmem>>) offsets(%arg12 : memref<4096xi32, #tpu.memory_space<vmem>>) semaphore(%arg16 : memref<!tpu.dma_semaphore, #tpu.memory_space<semaphore_mem>>)
    %dma_wait3A_308 = arith.constant 0 : i32
    %dma_wait3A_309 = tpu.memref_slice %arg2[%dma_wait3A_308] : memref<67108864xf32, #tpu.memory_space<hbm>> -> memref<67108864xf32, #tpu.memory_space<hbm>>
    tpu.wait_indirect_dma semaphore(%arg15 : memref<!tpu.dma_semaphore, #tpu.memory_space<semaphore_mem>>) src(%dma_wait3A_309 : memref<67108864xf32, #tpu.memory_space<hbm>>) dst(%arg13 : memref<4096xf32, #tpu.memory_space<vmem>>)
    %get3A_310 = arith.constant 10 : i32
    %get3A_311 = arith.index_cast %get3A_310 : i32 to index
    %get3A_312 = arith.constant 0 : index
    %get3A_313 = tpu.vector_load %arg8[%get3A_311, %get3A_312] {strides = array<i32>} : memref<16x16xf32, #tpu.memory_space<vmem>>, vector<1x16xf32>,
    %get3A_314 = vector.shape_cast %get3A_313 : vector<1x16xf32> to vector<16xf32>
    %scan3A_315 = arith.constant 0 : i32
    %scan3A_316 = arith.constant 0 : i32
    %scan3A_317 = arith.constant 256 : i32
    %scan3A_318 = arith.addi %scan3A_316, %scan3A_317 : i32
    %scan3A_319 = arith.constant 1 : i32
    %scan3A_320 = scf.for %scan3A_448 = %scan3A_316 to %scan3A_318 step %scan3A_319 iter_args(%scan3A_449 = %scan3A_315) -> (i32)  : i32 {
      %mul3A_450 = arith.constant 16 : i32
      %mul3A_451 = arith.muli %scan3A_448, %mul3A_450 : i32
      %get3A_452 = arith.index_cast %mul3A_451 : i32 to index
      %get3A_453 = tpu.vector_load %arg10[%get3A_452] {strides = array<i32>} : memref<4096xf32, #tpu.memory_space<vmem>>, vector<16xf32>,
      %get3A_454 = vector.shape_cast %get3A_453 : vector<16xf32> to vector<16xf32>
      %get3A_455 = arith.index_cast %mul3A_451 : i32 to index
      %get3A_456 = tpu.vector_load %arg13[%get3A_455] {strides = array<i32>} : memref<4096xf32, #tpu.memory_space<vmem>>, vector<16xf32>,
      %get3A_457 = vector.shape_cast %get3A_456 : vector<16xf32> to vector<16xf32>
      %mul3A_458 = arith.mulf %get3A_314, %get3A_457 : vector<16xf32>
      %add3A_459 = arith.addf %get3A_454, %mul3A_458 : vector<16xf32>
      %swap3A = arith.index_cast %mul3A_451 : i32 to index
      %swap3A_460 = tpu.vector_load %arg10[%swap3A] {strides = array<i32>} : memref<4096xf32, #tpu.memory_space<vmem>>, vector<16xf32>,
      %swap3A_461 = vector.shape_cast %swap3A_460 : vector<16xf32> to vector<16xf32>
      %swap3A_462 = vector.shape_cast %add3A_459 : vector<16xf32> to vector<16xf32>
      tpu.vector_store %arg10[%swap3A], %swap3A_462 {strides = array<i32>} : memref<4096xf32, #tpu.memory_space<vmem>>, vector<16xf32>,
      %scan3A_463 = arith.constant 0 : i32
      scf.yield %scan3A_463 : i32
    }
    %scan3A_321 = arith.constant 256 : i32
    %get3A_322 = arith.constant 12 : i32
    %get3A_323 = arith.index_cast %get3A_322 : i32 to index
    %get3A_324 = arith.constant 0 : index
    %get3A_325 = tpu.vector_load %arg7[%get3A_323, %get3A_324] {strides = array<i32>} : memref<16x16xi32, #tpu.memory_space<vmem>>, vector<1x16xi32>,
    %get3A_326 = vector.shape_cast %get3A_325 : vector<1x16xi32> to vector<16xi32>
    %scan3A_327 = arith.constant 0 : i32
    %scan3A_328 = arith.constant 0 : i32
    %scan3A_329 = arith.constant 256 : i32
    %scan3A_330 = arith.addi %scan3A_328, %scan3A_329 : i32
    %scan3A_331 = arith.constant 1 : i32
    %scan3A_332 = scf.for %scan3A_448 = %scan3A_328 to %scan3A_330 step %scan3A_331 iter_args(%scan3A_449 = %scan3A_327) -> (i32)  : i32 {
      %mul3A_450 = arith.constant 262144 : i32
      %mul3A_451 = arith.muli %scan3A_448, %mul3A_450 : i32
      %add3A_452 = vector.broadcast %mul3A_451 : i32 to vector<16xi32>
      %add3A_453 = arith.addi %mul3A_3, %add3A_452 : vector<16xi32>
      %add3A_454 = arith.addi %add3A_453, %get3A_326 : vector<16xi32>
      %mul3A_455 = arith.constant 16 : i32
      %mul3A_456 = arith.muli %scan3A_448, %mul3A_455 : i32
      %swap3A = arith.index_cast %mul3A_456 : i32 to index
      %swap3A_457 = tpu.vector_load %arg11[%swap3A] {strides = array<i32>} : memref<4096xi32, #tpu.memory_space<vmem>>, vector<16xi32>,
      %swap3A_458 = vector.shape_cast %swap3A_457 : vector<16xi32> to vector<16xi32>
      %swap3A_459 = vector.shape_cast %add3A_454 : vector<16xi32> to vector<16xi32>
      tpu.vector_store %arg11[%swap3A], %swap3A_459 {strides = array<i32>} : memref<4096xi32, #tpu.memory_space<vmem>>, vector<16xi32>,
      %scan3A_460 = arith.constant 0 : i32
      scf.yield %scan3A_460 : i32
    }
    %scan3A_333 = arith.constant 256 : i32
    %dma_start3A_334 = arith.constant 0 : i32
    %dma_start3A_335 = tpu.memref_slice %arg2[%dma_start3A_334] : memref<67108864xf32, #tpu.memory_space<hbm>> -> memref<67108864xf32, #tpu.memory_space<hbm>>
    tpu.enqueue_indirect_dma source(%dma_start3A_335 : memref<67108864xf32, #tpu.memory_space<hbm>>) target(%arg13 : memref<4096xf32, #tpu.memory_space<vmem>>) offsets(%arg11 : memref<4096xi32, #tpu.memory_space<vmem>>) semaphore(%arg15 : memref<!tpu.dma_semaphore, #tpu.memory_space<semaphore_mem>>)
    %dma_wait3A_336 = arith.constant 0 : i32
    %dma_wait3A_337 = tpu.memref_slice %arg2[%dma_wait3A_336] : memref<67108864xf32, #tpu.memory_space<hbm>> -> memref<67108864xf32, #tpu.memory_space<hbm>>
    tpu.wait_indirect_dma semaphore(%arg16 : memref<!tpu.dma_semaphore, #tpu.memory_space<semaphore_mem>>) src(%dma_wait3A_337 : memref<67108864xf32, #tpu.memory_space<hbm>>) dst(%arg14 : memref<4096xf32, #tpu.memory_space<vmem>>)
    %get3A_338 = arith.constant 11 : i32
    %get3A_339 = arith.index_cast %get3A_338 : i32 to index
    %get3A_340 = arith.constant 0 : index
    %get3A_341 = tpu.vector_load %arg8[%get3A_339, %get3A_340] {strides = array<i32>} : memref<16x16xf32, #tpu.memory_space<vmem>>, vector<1x16xf32>,
    %get3A_342 = vector.shape_cast %get3A_341 : vector<1x16xf32> to vector<16xf32>
    %scan3A_343 = arith.constant 0 : i32
    %scan3A_344 = arith.constant 0 : i32
    %scan3A_345 = arith.constant 256 : i32
    %scan3A_346 = arith.addi %scan3A_344, %scan3A_345 : i32
    %scan3A_347 = arith.constant 1 : i32
    %scan3A_348 = scf.for %scan3A_448 = %scan3A_344 to %scan3A_346 step %scan3A_347 iter_args(%scan3A_449 = %scan3A_343) -> (i32)  : i32 {
      %mul3A_450 = arith.constant 16 : i32
      %mul3A_451 = arith.muli %scan3A_448, %mul3A_450 : i32
      %get3A_452 = arith.index_cast %mul3A_451 : i32 to index
      %get3A_453 = tpu.vector_load %arg10[%get3A_452] {strides = array<i32>} : memref<4096xf32, #tpu.memory_space<vmem>>, vector<16xf32>,
      %get3A_454 = vector.shape_cast %get3A_453 : vector<16xf32> to vector<16xf32>
      %get3A_455 = arith.index_cast %mul3A_451 : i32 to index
      %get3A_456 = tpu.vector_load %arg14[%get3A_455] {strides = array<i32>} : memref<4096xf32, #tpu.memory_space<vmem>>, vector<16xf32>,
      %get3A_457 = vector.shape_cast %get3A_456 : vector<16xf32> to vector<16xf32>
      %mul3A_458 = arith.mulf %get3A_342, %get3A_457 : vector<16xf32>
      %add3A_459 = arith.addf %get3A_454, %mul3A_458 : vector<16xf32>
      %swap3A = arith.index_cast %mul3A_451 : i32 to index
      %swap3A_460 = tpu.vector_load %arg10[%swap3A] {strides = array<i32>} : memref<4096xf32, #tpu.memory_space<vmem>>, vector<16xf32>,
      %swap3A_461 = vector.shape_cast %swap3A_460 : vector<16xf32> to vector<16xf32>
      %swap3A_462 = vector.shape_cast %add3A_459 : vector<16xf32> to vector<16xf32>
      tpu.vector_store %arg10[%swap3A], %swap3A_462 {strides = array<i32>} : memref<4096xf32, #tpu.memory_space<vmem>>, vector<16xf32>,
      %scan3A_463 = arith.constant 0 : i32
      scf.yield %scan3A_463 : i32
    }
    %scan3A_349 = arith.constant 256 : i32
    %get3A_350 = arith.constant 13 : i32
    %get3A_351 = arith.index_cast %get3A_350 : i32 to index
    %get3A_352 = arith.constant 0 : index
    %get3A_353 = tpu.vector_load %arg7[%get3A_351, %get3A_352] {strides = array<i32>} : memref<16x16xi32, #tpu.memory_space<vmem>>, vector<1x16xi32>,
    %get3A_354 = vector.shape_cast %get3A_353 : vector<1x16xi32> to vector<16xi32>
    %scan3A_355 = arith.constant 0 : i32
    %scan3A_356 = arith.constant 0 : i32
    %scan3A_357 = arith.constant 256 : i32
    %scan3A_358 = arith.addi %scan3A_356, %scan3A_357 : i32
    %scan3A_359 = arith.constant 1 : i32
    %scan3A_360 = scf.for %scan3A_448 = %scan3A_356 to %scan3A_358 step %scan3A_359 iter_args(%scan3A_449 = %scan3A_355) -> (i32)  : i32 {
      %mul3A_450 = arith.constant 262144 : i32
      %mul3A_451 = arith.muli %scan3A_448, %mul3A_450 : i32
      %add3A_452 = vector.broadcast %mul3A_451 : i32 to vector<16xi32>
      %add3A_453 = arith.addi %mul3A_3, %add3A_452 : vector<16xi32>
      %add3A_454 = arith.addi %add3A_453, %get3A_354 : vector<16xi32>
      %mul3A_455 = arith.constant 16 : i32
      %mul3A_456 = arith.muli %scan3A_448, %mul3A_455 : i32
      %swap3A = arith.index_cast %mul3A_456 : i32 to index
      %swap3A_457 = tpu.vector_load %arg12[%swap3A] {strides = array<i32>} : memref<4096xi32, #tpu.memory_space<vmem>>, vector<16xi32>,
      %swap3A_458 = vector.shape_cast %swap3A_457 : vector<16xi32> to vector<16xi32>
      %swap3A_459 = vector.shape_cast %add3A_454 : vector<16xi32> to vector<16xi32>
      tpu.vector_store %arg12[%swap3A], %swap3A_459 {strides = array<i32>} : memref<4096xi32, #tpu.memory_space<vmem>>, vector<16xi32>,
      %scan3A_460 = arith.constant 0 : i32
      scf.yield %scan3A_460 : i32
    }
    %scan3A_361 = arith.constant 256 : i32
    %dma_start3A_362 = arith.constant 0 : i32
    %dma_start3A_363 = tpu.memref_slice %arg2[%dma_start3A_362] : memref<67108864xf32, #tpu.memory_space<hbm>> -> memref<67108864xf32, #tpu.memory_space<hbm>>
    tpu.enqueue_indirect_dma source(%dma_start3A_363 : memref<67108864xf32, #tpu.memory_space<hbm>>) target(%arg14 : memref<4096xf32, #tpu.memory_space<vmem>>) offsets(%arg12 : memref<4096xi32, #tpu.memory_space<vmem>>) semaphore(%arg16 : memref<!tpu.dma_semaphore, #tpu.memory_space<semaphore_mem>>)
    %dma_wait3A_364 = arith.constant 0 : i32
    %dma_wait3A_365 = tpu.memref_slice %arg2[%dma_wait3A_364] : memref<67108864xf32, #tpu.memory_space<hbm>> -> memref<67108864xf32, #tpu.memory_space<hbm>>
    tpu.wait_indirect_dma semaphore(%arg15 : memref<!tpu.dma_semaphore, #tpu.memory_space<semaphore_mem>>) src(%dma_wait3A_365 : memref<67108864xf32, #tpu.memory_space<hbm>>) dst(%arg13 : memref<4096xf32, #tpu.memory_space<vmem>>)
    %get3A_366 = arith.constant 12 : i32
    %get3A_367 = arith.index_cast %get3A_366 : i32 to index
    %get3A_368 = arith.constant 0 : index
    %get3A_369 = tpu.vector_load %arg8[%get3A_367, %get3A_368] {strides = array<i32>} : memref<16x16xf32, #tpu.memory_space<vmem>>, vector<1x16xf32>,
    %get3A_370 = vector.shape_cast %get3A_369 : vector<1x16xf32> to vector<16xf32>
    %scan3A_371 = arith.constant 0 : i32
    %scan3A_372 = arith.constant 0 : i32
    %scan3A_373 = arith.constant 256 : i32
    %scan3A_374 = arith.addi %scan3A_372, %scan3A_373 : i32
    %scan3A_375 = arith.constant 1 : i32
    %scan3A_376 = scf.for %scan3A_448 = %scan3A_372 to %scan3A_374 step %scan3A_375 iter_args(%scan3A_449 = %scan3A_371) -> (i32)  : i32 {
      %mul3A_450 = arith.constant 16 : i32
      %mul3A_451 = arith.muli %scan3A_448, %mul3A_450 : i32
      %get3A_452 = arith.index_cast %mul3A_451 : i32 to index
      %get3A_453 = tpu.vector_load %arg10[%get3A_452] {strides = array<i32>} : memref<4096xf32, #tpu.memory_space<vmem>>, vector<16xf32>,
      %get3A_454 = vector.shape_cast %get3A_453 : vector<16xf32> to vector<16xf32>
      %get3A_455 = arith.index_cast %mul3A_451 : i32 to index
      %get3A_456 = tpu.vector_load %arg13[%get3A_455] {strides = array<i32>} : memref<4096xf32, #tpu.memory_space<vmem>>, vector<16xf32>,
      %get3A_457 = vector.shape_cast %get3A_456 : vector<16xf32> to vector<16xf32>
      %mul3A_458 = arith.mulf %get3A_370, %get3A_457 : vector<16xf32>
      %add3A_459 = arith.addf %get3A_454, %mul3A_458 : vector<16xf32>
      %swap3A = arith.index_cast %mul3A_451 : i32 to index
      %swap3A_460 = tpu.vector_load %arg10[%swap3A] {strides = array<i32>} : memref<4096xf32, #tpu.memory_space<vmem>>, vector<16xf32>,
      %swap3A_461 = vector.shape_cast %swap3A_460 : vector<16xf32> to vector<16xf32>
      %swap3A_462 = vector.shape_cast %add3A_459 : vector<16xf32> to vector<16xf32>
      tpu.vector_store %arg10[%swap3A], %swap3A_462 {strides = array<i32>} : memref<4096xf32, #tpu.memory_space<vmem>>, vector<16xf32>,
      %scan3A_463 = arith.constant 0 : i32
      scf.yield %scan3A_463 : i32
    }
    %scan3A_377 = arith.constant 256 : i32
    %get3A_378 = arith.constant 14 : i32
    %get3A_379 = arith.index_cast %get3A_378 : i32 to index
    %get3A_380 = arith.constant 0 : index
    %get3A_381 = tpu.vector_load %arg7[%get3A_379, %get3A_380] {strides = array<i32>} : memref<16x16xi32, #tpu.memory_space<vmem>>, vector<1x16xi32>,
    %get3A_382 = vector.shape_cast %get3A_381 : vector<1x16xi32> to vector<16xi32>
    %scan3A_383 = arith.constant 0 : i32
    %scan3A_384 = arith.constant 0 : i32
    %scan3A_385 = arith.constant 256 : i32
    %scan3A_386 = arith.addi %scan3A_384, %scan3A_385 : i32
    %scan3A_387 = arith.constant 1 : i32
    %scan3A_388 = scf.for %scan3A_448 = %scan3A_384 to %scan3A_386 step %scan3A_387 iter_args(%scan3A_449 = %scan3A_383) -> (i32)  : i32 {
      %mul3A_450 = arith.constant 262144 : i32
      %mul3A_451 = arith.muli %scan3A_448, %mul3A_450 : i32
      %add3A_452 = vector.broadcast %mul3A_451 : i32 to vector<16xi32>
      %add3A_453 = arith.addi %mul3A_3, %add3A_452 : vector<16xi32>
      %add3A_454 = arith.addi %add3A_453, %get3A_382 : vector<16xi32>
      %mul3A_455 = arith.constant 16 : i32
      %mul3A_456 = arith.muli %scan3A_448, %mul3A_455 : i32
      %swap3A = arith.index_cast %mul3A_456 : i32 to index
      %swap3A_457 = tpu.vector_load %arg11[%swap3A] {strides = array<i32>} : memref<4096xi32, #tpu.memory_space<vmem>>, vector<16xi32>,
      %swap3A_458 = vector.shape_cast %swap3A_457 : vector<16xi32> to vector<16xi32>
      %swap3A_459 = vector.shape_cast %add3A_454 : vector<16xi32> to vector<16xi32>
      tpu.vector_store %arg11[%swap3A], %swap3A_459 {strides = array<i32>} : memref<4096xi32, #tpu.memory_space<vmem>>, vector<16xi32>,
      %scan3A_460 = arith.constant 0 : i32
      scf.yield %scan3A_460 : i32
    }
    %scan3A_389 = arith.constant 256 : i32
    %dma_start3A_390 = arith.constant 0 : i32
    %dma_start3A_391 = tpu.memref_slice %arg2[%dma_start3A_390] : memref<67108864xf32, #tpu.memory_space<hbm>> -> memref<67108864xf32, #tpu.memory_space<hbm>>
    tpu.enqueue_indirect_dma source(%dma_start3A_391 : memref<67108864xf32, #tpu.memory_space<hbm>>) target(%arg13 : memref<4096xf32, #tpu.memory_space<vmem>>) offsets(%arg11 : memref<4096xi32, #tpu.memory_space<vmem>>) semaphore(%arg15 : memref<!tpu.dma_semaphore, #tpu.memory_space<semaphore_mem>>)
    %dma_wait3A_392 = arith.constant 0 : i32
    %dma_wait3A_393 = tpu.memref_slice %arg2[%dma_wait3A_392] : memref<67108864xf32, #tpu.memory_space<hbm>> -> memref<67108864xf32, #tpu.memory_space<hbm>>
    tpu.wait_indirect_dma semaphore(%arg16 : memref<!tpu.dma_semaphore, #tpu.memory_space<semaphore_mem>>) src(%dma_wait3A_393 : memref<67108864xf32, #tpu.memory_space<hbm>>) dst(%arg14 : memref<4096xf32, #tpu.memory_space<vmem>>)
    %get3A_394 = arith.constant 13 : i32
    %get3A_395 = arith.index_cast %get3A_394 : i32 to index
    %get3A_396 = arith.constant 0 : index
    %get3A_397 = tpu.vector_load %arg8[%get3A_395, %get3A_396] {strides = array<i32>} : memref<16x16xf32, #tpu.memory_space<vmem>>, vector<1x16xf32>,
    %get3A_398 = vector.shape_cast %get3A_397 : vector<1x16xf32> to vector<16xf32>
    %scan3A_399 = arith.constant 0 : i32
    %scan3A_400 = arith.constant 0 : i32
    %scan3A_401 = arith.constant 256 : i32
    %scan3A_402 = arith.addi %scan3A_400, %scan3A_401 : i32
    %scan3A_403 = arith.constant 1 : i32
    %scan3A_404 = scf.for %scan3A_448 = %scan3A_400 to %scan3A_402 step %scan3A_403 iter_args(%scan3A_449 = %scan3A_399) -> (i32)  : i32 {
      %mul3A_450 = arith.constant 16 : i32
      %mul3A_451 = arith.muli %scan3A_448, %mul3A_450 : i32
      %get3A_452 = arith.index_cast %mul3A_451 : i32 to index
      %get3A_453 = tpu.vector_load %arg10[%get3A_452] {strides = array<i32>} : memref<4096xf32, #tpu.memory_space<vmem>>, vector<16xf32>,
      %get3A_454 = vector.shape_cast %get3A_453 : vector<16xf32> to vector<16xf32>
      %get3A_455 = arith.index_cast %mul3A_451 : i32 to index
      %get3A_456 = tpu.vector_load %arg14[%get3A_455] {strides = array<i32>} : memref<4096xf32, #tpu.memory_space<vmem>>, vector<16xf32>,
      %get3A_457 = vector.shape_cast %get3A_456 : vector<16xf32> to vector<16xf32>
      %mul3A_458 = arith.mulf %get3A_398, %get3A_457 : vector<16xf32>
      %add3A_459 = arith.addf %get3A_454, %mul3A_458 : vector<16xf32>
      %swap3A = arith.index_cast %mul3A_451 : i32 to index
      %swap3A_460 = tpu.vector_load %arg10[%swap3A] {strides = array<i32>} : memref<4096xf32, #tpu.memory_space<vmem>>, vector<16xf32>,
      %swap3A_461 = vector.shape_cast %swap3A_460 : vector<16xf32> to vector<16xf32>
      %swap3A_462 = vector.shape_cast %add3A_459 : vector<16xf32> to vector<16xf32>
      tpu.vector_store %arg10[%swap3A], %swap3A_462 {strides = array<i32>} : memref<4096xf32, #tpu.memory_space<vmem>>, vector<16xf32>,
      %scan3A_463 = arith.constant 0 : i32
      scf.yield %scan3A_463 : i32
    }
    %scan3A_405 = arith.constant 256 : i32
    %get3A_406 = arith.constant 15 : i32
    %get3A_407 = arith.index_cast %get3A_406 : i32 to index
    %get3A_408 = arith.constant 0 : index
    %get3A_409 = tpu.vector_load %arg7[%get3A_407, %get3A_408] {strides = array<i32>} : memref<16x16xi32, #tpu.memory_space<vmem>>, vector<1x16xi32>,
    %get3A_410 = vector.shape_cast %get3A_409 : vector<1x16xi32> to vector<16xi32>
    %scan3A_411 = arith.constant 0 : i32
    %scan3A_412 = arith.constant 0 : i32
    %scan3A_413 = arith.constant 256 : i32
    %scan3A_414 = arith.addi %scan3A_412, %scan3A_413 : i32
    %scan3A_415 = arith.constant 1 : i32
    %scan3A_416 = scf.for %scan3A_448 = %scan3A_412 to %scan3A_414 step %scan3A_415 iter_args(%scan3A_449 = %scan3A_411) -> (i32)  : i32 {
      %mul3A_450 = arith.constant 262144 : i32
      %mul3A_451 = arith.muli %scan3A_448, %mul3A_450 : i32
      %add3A_452 = vector.broadcast %mul3A_451 : i32 to vector<16xi32>
      %add3A_453 = arith.addi %mul3A_3, %add3A_452 : vector<16xi32>
      %add3A_454 = arith.addi %add3A_453, %get3A_410 : vector<16xi32>
      %mul3A_455 = arith.constant 16 : i32
      %mul3A_456 = arith.muli %scan3A_448, %mul3A_455 : i32
      %swap3A = arith.index_cast %mul3A_456 : i32 to index
      %swap3A_457 = tpu.vector_load %arg12[%swap3A] {strides = array<i32>} : memref<4096xi32, #tpu.memory_space<vmem>>, vector<16xi32>,
      %swap3A_458 = vector.shape_cast %swap3A_457 : vector<16xi32> to vector<16xi32>
      %swap3A_459 = vector.shape_cast %add3A_454 : vector<16xi32> to vector<16xi32>
      tpu.vector_store %arg12[%swap3A], %swap3A_459 {strides = array<i32>} : memref<4096xi32, #tpu.memory_space<vmem>>, vector<16xi32>,
      %scan3A_460 = arith.constant 0 : i32
      scf.yield %scan3A_460 : i32
    }
    %scan3A_417 = arith.constant 256 : i32
    %dma_start3A_418 = arith.constant 0 : i32
    %dma_start3A_419 = tpu.memref_slice %arg2[%dma_start3A_418] : memref<67108864xf32, #tpu.memory_space<hbm>> -> memref<67108864xf32, #tpu.memory_space<hbm>>
    tpu.enqueue_indirect_dma source(%dma_start3A_419 : memref<67108864xf32, #tpu.memory_space<hbm>>) target(%arg14 : memref<4096xf32, #tpu.memory_space<vmem>>) offsets(%arg12 : memref<4096xi32, #tpu.memory_space<vmem>>) semaphore(%arg16 : memref<!tpu.dma_semaphore, #tpu.memory_space<semaphore_mem>>)
    %dma_wait3A_420 = arith.constant 0 : i32
    %dma_wait3A_421 = tpu.memref_slice %arg2[%dma_wait3A_420] : memref<67108864xf32, #tpu.memory_space<hbm>> -> memref<67108864xf32, #tpu.memory_space<hbm>>
    tpu.wait_indirect_dma semaphore(%arg15 : memref<!tpu.dma_semaphore, #tpu.memory_space<semaphore_mem>>) src(%dma_wait3A_421 : memref<67108864xf32, #tpu.memory_space<hbm>>) dst(%arg13 : memref<4096xf32, #tpu.memory_space<vmem>>)
    %get3A_422 = arith.constant 14 : i32
    %get3A_423 = arith.index_cast %get3A_422 : i32 to index
    %get3A_424 = arith.constant 0 : index
    %get3A_425 = tpu.vector_load %arg8[%get3A_423, %get3A_424] {strides = array<i32>} : memref<16x16xf32, #tpu.memory_space<vmem>>, vector<1x16xf32>,
    %get3A_426 = vector.shape_cast %get3A_425 : vector<1x16xf32> to vector<16xf32>
    %scan3A_427 = arith.constant 0 : i32
    %scan3A_428 = arith.constant 0 : i32
    %scan3A_429 = arith.constant 256 : i32
    %scan3A_430 = arith.addi %scan3A_428, %scan3A_429 : i32
    %scan3A_431 = arith.constant 1 : i32
    %scan3A_432 = scf.for %scan3A_448 = %scan3A_428 to %scan3A_430 step %scan3A_431 iter_args(%scan3A_449 = %scan3A_427) -> (i32)  : i32 {
      %mul3A_450 = arith.constant 16 : i32
      %mul3A_451 = arith.muli %scan3A_448, %mul3A_450 : i32
      %get3A_452 = arith.index_cast %mul3A_451 : i32 to index
      %get3A_453 = tpu.vector_load %arg10[%get3A_452] {strides = array<i32>} : memref<4096xf32, #tpu.memory_space<vmem>>, vector<16xf32>,
      %get3A_454 = vector.shape_cast %get3A_453 : vector<16xf32> to vector<16xf32>
      %get3A_455 = arith.index_cast %mul3A_451 : i32 to index
      %get3A_456 = tpu.vector_load %arg13[%get3A_455] {strides = array<i32>} : memref<4096xf32, #tpu.memory_space<vmem>>, vector<16xf32>,
      %get3A_457 = vector.shape_cast %get3A_456 : vector<16xf32> to vector<16xf32>
      %mul3A_458 = arith.mulf %get3A_426, %get3A_457 : vector<16xf32>
      %add3A_459 = arith.addf %get3A_454, %mul3A_458 : vector<16xf32>
      %swap3A = arith.index_cast %mul3A_451 : i32 to index
      %swap3A_460 = tpu.vector_load %arg10[%swap3A] {strides = array<i32>} : memref<4096xf32, #tpu.memory_space<vmem>>, vector<16xf32>,
      %swap3A_461 = vector.shape_cast %swap3A_460 : vector<16xf32> to vector<16xf32>
      %swap3A_462 = vector.shape_cast %add3A_459 : vector<16xf32> to vector<16xf32>
      tpu.vector_store %arg10[%swap3A], %swap3A_462 {strides = array<i32>} : memref<4096xf32, #tpu.memory_space<vmem>>, vector<16xf32>,
      %scan3A_463 = arith.constant 0 : i32
      scf.yield %scan3A_463 : i32
    }
    %scan3A_433 = arith.constant 256 : i32
    %dma_wait3A_434 = arith.constant 0 : i32
    %dma_wait3A_435 = tpu.memref_slice %arg2[%dma_wait3A_434] : memref<67108864xf32, #tpu.memory_space<hbm>> -> memref<67108864xf32, #tpu.memory_space<hbm>>
    tpu.wait_indirect_dma semaphore(%arg16 : memref<!tpu.dma_semaphore, #tpu.memory_space<semaphore_mem>>) src(%dma_wait3A_435 : memref<67108864xf32, #tpu.memory_space<hbm>>) dst(%arg14 : memref<4096xf32, #tpu.memory_space<vmem>>)
    %get3A_436 = arith.constant 15 : i32
    %get3A_437 = arith.index_cast %get3A_436 : i32 to index
    %get3A_438 = arith.constant 0 : index
    %get3A_439 = tpu.vector_load %arg8[%get3A_437, %get3A_438] {strides = array<i32>} : memref<16x16xf32, #tpu.memory_space<vmem>>, vector<1x16xf32>,
    %get3A_440 = vector.shape_cast %get3A_439 : vector<1x16xf32> to vector<16xf32>
    %scan3A_441 = arith.constant 0 : i32
    %scan3A_442 = arith.constant 0 : i32
    %scan3A_443 = arith.constant 256 : i32
    %scan3A_444 = arith.addi %scan3A_442, %scan3A_443 : i32
    %scan3A_445 = arith.constant 1 : i32
    %scan3A_446 = scf.for %scan3A_448 = %scan3A_442 to %scan3A_444 step %scan3A_445 iter_args(%scan3A_449 = %scan3A_441) -> (i32)  : i32 {
      %mul3A_450 = arith.constant 16 : i32
      %mul3A_451 = arith.muli %scan3A_448, %mul3A_450 : i32
      %get3A_452 = arith.index_cast %mul3A_451 : i32 to index
      %get3A_453 = tpu.vector_load %arg10[%get3A_452] {strides = array<i32>} : memref<4096xf32, #tpu.memory_space<vmem>>, vector<16xf32>,
      %get3A_454 = vector.shape_cast %get3A_453 : vector<16xf32> to vector<16xf32>
      %get3A_455 = arith.index_cast %mul3A_451 : i32 to index
      %get3A_456 = tpu.vector_load %arg14[%get3A_455] {strides = array<i32>} : memref<4096xf32, #tpu.memory_space<vmem>>, vector<16xf32>,
      %get3A_457 = vector.shape_cast %get3A_456 : vector<16xf32> to vector<16xf32>
      %mul3A_458 = arith.mulf %get3A_440, %get3A_457 : vector<16xf32>
      %add3A_459 = arith.addf %get3A_454, %mul3A_458 : vector<16xf32>
      %swap3A = arith.index_cast %mul3A_451 : i32 to index
      %swap3A_460 = tpu.vector_load %arg10[%swap3A] {strides = array<i32>} : memref<4096xf32, #tpu.memory_space<vmem>>, vector<16xf32>,
      %swap3A_461 = vector.shape_cast %swap3A_460 : vector<16xf32> to vector<16xf32>
      %swap3A_462 = vector.shape_cast %add3A_459 : vector<16xf32> to vector<16xf32>
      tpu.vector_store %arg10[%swap3A], %swap3A_462 {strides = array<i32>} : memref<4096xf32, #tpu.memory_space<vmem>>, vector<16xf32>,
      %scan3A_463 = arith.constant 0 : i32
      scf.yield %scan3A_463 : i32
    }
    %scan3A_447 = arith.constant 256 : i32
    "tpu.region"() ({
      %run_scoped3A = tpu.sem_alloc : memref<!tpu.dma_semaphore, #tpu.memory_space<semaphore_mem>>
      %dma_start3A_448 = arith.constant 0 : i32
      %dma_start3A_449 = tpu.memref_slice %arg6[%add3A, %dma_start3A_448] : memref<32x4096xf32, #tpu.memory_space<hbm>> -> memref<1x4096xf32, #tpu.memory_space<hbm>>
      %dma_start3A_450 = tpu.memref_squeeze %dma_start3A_449 : memref<1x4096xf32, #tpu.memory_space<hbm>> -> memref<4096xf32, #tpu.memory_space<hbm>>
      %dma_start3A_451 = arith.constant 0 : i32
      %dma_start3A_452 = tpu.memref_slice %arg6[%add3A, %dma_start3A_451] : memref<32x4096xf32, #tpu.memory_space<hbm>> -> memref<1x4096xf32, #tpu.memory_space<hbm>>
      %dma_start3A_453 = tpu.memref_squeeze %dma_start3A_452 : memref<1x4096xf32, #tpu.memory_space<hbm>> -> memref<4096xf32, #tpu.memory_space<hbm>>
      tpu.enqueue_dma source(%arg10 : memref<4096xf32, #tpu.memory_space<vmem>>) target(%dma_start3A_453 : memref<4096xf32, #tpu.memory_space<hbm>>) target_semaphore(%run_scoped3A : memref<!tpu.dma_semaphore, #tpu.memory_space<semaphore_mem>>)
      %dma_wait3A_454 = arith.constant 0 : i32
      %dma_wait3A_455 = tpu.memref_slice %arg6[%add3A, %dma_wait3A_454] : memref<32x4096xf32, #tpu.memory_space<hbm>> -> memref<1x4096xf32, #tpu.memory_space<hbm>>
      %dma_wait3A_456 = tpu.memref_squeeze %dma_wait3A_455 : memref<1x4096xf32, #tpu.memory_space<hbm>> -> memref<4096xf32, #tpu.memory_space<hbm>>
      %dma_wait3A_457 = arith.constant 0 : i32
      %dma_wait3A_458 = tpu.memref_slice %arg6[%add3A, %dma_wait3A_457] : memref<32x4096xf32, #tpu.memory_space<hbm>> -> memref<1x4096xf32, #tpu.memory_space<hbm>>
      %dma_wait3A_459 = tpu.memref_squeeze %dma_wait3A_458 : memref<1x4096xf32, #tpu.memory_space<hbm>> -> memref<4096xf32, #tpu.memory_space<hbm>>
      tpu.wait_dma2 semaphore(%run_scoped3A : memref<!tpu.dma_semaphore, #tpu.memory_space<semaphore_mem>>) src(%arg10 : memref<4096xf32, #tpu.memory_space<vmem>>) dst(%dma_wait3A_459 : memref<4096xf32, #tpu.memory_space<hbm>>)
      tpu.yield
    }) : () -> ()
    return
  }
}

module attributes {stable_mosaic.version = 14 : i64} {
  func.func @_tc_body(%arg0: i32, %arg1: memref<32x4096xf32, #tpu.memory_space<vmem>>, %arg2: memref<512x4096xf32, #tpu.memory_space<vmem>>, %arg3: memref<1x16384xf32, #tpu.memory_space<vmem>>, %arg4: memref<32x16384xf32, #tpu.memory_space<vmem>>, %arg5: memref<32x16x16xi32, #tpu.memory_space<vmem>>, %arg6: memref<32x16x16xf32, #tpu.memory_space<vmem>>, %arg7: memref<32x16384xf32, #tpu.memory_space<vmem>>, %arg8: memref<32x16384xf32, #tpu.memory_space<vmem>>, %arg9: memref<32x16384xf32, #tpu.memory_space<vmem>>) attributes {dimension_semantics = [#tpu.dimension_semantics<arbitrary>], iteration_bounds = array<i64: 33>, scalar_prefetch = 0 : i64, scratch_operands = 3 : i64, tpu.core_type = #tpu.core_type<tc>, window_params = [{pipeline_mode = #tpu.pipeline_mode<synchronous>, transform_indices = @transform_0, window_bounds = array<i64: 32, 4096>}, {transform_indices = @transform_1, window_bounds = array<i64: 512, 4096>}, {pipeline_mode = #tpu.pipeline_mode<synchronous>, transform_indices = @transform_2, window_bounds = array<i64: 1, 16384>}, {pipeline_mode = #tpu.pipeline_mode<synchronous>, transform_indices = @transform_3, window_bounds = array<i64: 32, 16384>}, {pipeline_mode = #tpu.pipeline_mode<synchronous>, transform_indices = @transform_4, window_bounds = array<i64: 32, 16, 16>}, {pipeline_mode = #tpu.pipeline_mode<synchronous>, transform_indices = @transform_5, window_bounds = array<i64: 32, 16, 16>}]} {
    %lt3A = arith.constant 32 : i32
    %lt3A_0 = arith.cmpi slt, %arg0, %lt3A : i32
    %convert_element_type3A = arith.extui %lt3A_0 : i1 to i32
    %cond3A = arith.constant 0 : i32
    %cond3A_1 = arith.cmpi ne, %convert_element_type3A, %cond3A : i32
    scf.if %cond3A_1 {
      %get3A = arith.constant 0 : index
      %get3A_6 = arith.constant 0 : index
      %get3A_7 = vector.load %arg1[%get3A, %get3A_6] : memref<32x4096xf32, #tpu.memory_space<vmem>>, vector<32x4096xf32>
      %get3A_8 = arith.constant 0 : index
      %get3A_9 = arith.constant 0 : index
      %get3A_10 = vector.load %arg2[%get3A_8, %get3A_9] : memref<512x4096xf32, #tpu.memory_space<vmem>>, vector<512x4096xf32>
      %dot_general3A = arith.constant dense<0.000000e+00> : vector<32x512xf32>
      %dot_general3A_11 = tpu.matmul %get3A_7, %get3A_10, %dot_general3A {dimension_numbers = #tpu.dot_dimension_numbers<[1], [1], [0], [0], [0, 0, 1, 0], [], []>, transpose_lhs_hint = false} : vector<32x4096xf32>, vector<512x4096xf32>, vector<32x512xf32> -> vector<32x512xf32>
      %mul3A = arith.constant 512 : i32
      %mul3A_12 = arith.muli %arg0, %mul3A : i32
      %get3A_13 = arith.constant 0 : index
      %get3A_14 = arith.index_cast %mul3A_12 : i32 to index
      %get3A_15 = vector.load %arg3[%get3A_13, %get3A_14] : memref<1x16384xf32, #tpu.memory_space<vmem>>, vector<1x512xf32>
      %add3A = vector.broadcast %get3A_15 : vector<1x512xf32> to vector<32x512xf32>
      %add3A_16 = arith.addf %dot_general3A_11, %add3A : vector<32x512xf32>
      %max3A = arith.constant 0.000000e+00 : f32
      %max3A_17 = vector.broadcast %max3A : f32 to vector<32x512xf32>
      %max3A_18 = arith.maximumf %add3A_16, %max3A_17 : vector<32x512xf32>
      %mul3A_19 = arith.constant 512 : i32
      %mul3A_20 = arith.muli %arg0, %mul3A_19 : i32
      %swap3A = arith.constant 0 : index
      %swap3A_21 = arith.index_cast %mul3A_20 : i32 to index
      %swap3A_22 = vector.load %arg7[%swap3A, %swap3A_21] : memref<32x16384xf32, #tpu.memory_space<vmem>>, vector<32x512xf32>
      tpu.vector_store %arg7[%swap3A, %swap3A_21], %max3A_18 {strides = array<i32>} : memref<32x16384xf32, #tpu.memory_space<vmem>>, vector<32x512xf32>,
    } else {
    }
    %eq3A = arith.constant 32 : i32
    %eq3A_2 = arith.cmpi eq, %arg0, %eq3A : i32
    %convert_element_type3A_3 = arith.extui %eq3A_2 : i1 to i32
    %cond3A_4 = arith.constant 0 : i32
    %cond3A_5 = arith.cmpi ne, %convert_element_type3A_3, %cond3A_4 : i32
    scf.if %cond3A_5 {
      %get3A = arith.constant 0 : index
      %get3A_6 = arith.constant 0 : index
      %get3A_7 = vector.load %arg7[%get3A, %get3A_6] : memref<32x16384xf32, #tpu.memory_space<vmem>>, vector<32x16384xf32>
      %swap3A = arith.constant 0 : index
      %swap3A_8 = arith.constant 0 : index
      %swap3A_9 = vector.load %arg9[%swap3A, %swap3A_8] : memref<32x16384xf32, #tpu.memory_space<vmem>>, vector<32x16384xf32>
      tpu.vector_store %arg9[%swap3A, %swap3A_8], %get3A_7 {strides = array<i32>} : memref<32x16384xf32, #tpu.memory_space<vmem>>, vector<32x16384xf32>,
      %broadcast_in_dim3A = arith.constant 0.000000e+00 : f32
      %broadcast_in_dim3A_10 = vector.broadcast %broadcast_in_dim3A : f32 to vector<32x16384xf32>
      %swap3A_11 = arith.constant 0 : index
      %swap3A_12 = arith.constant 0 : index
      %swap3A_13 = vector.load %arg8[%swap3A_11, %swap3A_12] : memref<32x16384xf32, #tpu.memory_space<vmem>>, vector<32x16384xf32>
      tpu.vector_store %arg8[%swap3A_11, %swap3A_12], %broadcast_in_dim3A_10 {strides = array<i32>} : memref<32x16384xf32, #tpu.memory_space<vmem>>, vector<32x16384xf32>,
      %iota3A = tpu.iota {dimensions = array<i32: 1>} : vector<32x16384xi32>
      %iota3A_14 = tpu.iota {dimensions = array<i32: 1>} : vector<32x16xi32>
      %broadcast_in_dim3A_15 = arith.constant 0 : i32
      %broadcast_in_dim3A_16 = vector.broadcast %broadcast_in_dim3A_15 : i32 to vector<32x16xi32>
      %broadcast_in_dim3A_17 = arith.constant 0.000000e+00 : f32
      %broadcast_in_dim3A_18 = vector.broadcast %broadcast_in_dim3A_17 : f32 to vector<32x16xf32>
      %scan3A = arith.constant 0 : i32
      %scan3A_19 = arith.constant 16 : i32
      %scan3A_20 = arith.addi %scan3A, %scan3A_19 : i32
      %scan3A_21 = arith.constant 1 : i32
      %scan3A_22:2 = scf.for %scan3A_47 = %scan3A to %scan3A_20 step %scan3A_21 iter_args(%scan3A_48 = %broadcast_in_dim3A_16, %scan3A_49 = %broadcast_in_dim3A_18) -> (vector<32x16xi32>, vector<32x16xf32>)  : i32 {
        %get3A_50 = arith.constant 0 : index
        %get3A_51 = arith.constant 0 : index
        %get3A_52 = vector.load %arg9[%get3A_50, %get3A_51] : memref<32x16384xf32, #tpu.memory_space<vmem>>, vector<32x16384xf32>
        %reduce_max3A = arith.constant dense<0xFF800000> : vector<32xf32>
        %reduce_max3A_53 = vector.multi_reduction <maximumf>, %get3A_52, %reduce_max3A [1] : vector<32x16384xf32> to vector<32xf32>
        %broadcast_in_dim3A_54 = vector.shape_cast %reduce_max3A_53 : vector<32xf32> to vector<32x1xf32>
        %eq3A_55 = vector.broadcast %broadcast_in_dim3A_54 : vector<32x1xf32> to vector<32x16384xf32>
        %eq3A_56 = arith.cmpf oeq, %get3A_52, %eq3A_55 : vector<32x16384xf32>
        %jit3A = arith.constant 16384 : i32
        %broadcast_in_dim3A_57 = vector.broadcast %jit3A : i32 to vector<32x16384xi32>
        %select_n3A = arith.select %eq3A_56, %iota3A, %broadcast_in_dim3A_57 : vector<32x16384xi1>, vector<32x16384xi32>
        %reduce_min3A = arith.constant dense<2147483647> : vector<32xi32>
        %reduce_min3A_58 = vector.multi_reduction <minsi>, %select_n3A, %reduce_min3A [1] : vector<32x16384xi32> to vector<32xi32>
        %broadcast_in_dim3A_59 = vector.shape_cast %reduce_min3A_58 : vector<32xi32> to vector<32x1xi32>
        %eq3A_60 = vector.broadcast %broadcast_in_dim3A_59 : vector<32x1xi32> to vector<32x16384xi32>
        %eq3A_61 = arith.cmpi eq, %iota3A, %eq3A_60 : vector<32x16384xi32>
        %get3A_62 = arith.constant 0 : index
        %get3A_63 = arith.constant 0 : index
        %get3A_64 = vector.load %arg8[%get3A_62, %get3A_63] : memref<32x16384xf32, #tpu.memory_space<vmem>>, vector<32x16384xf32>
        %jit3A_65 = arith.constant 1.000000e+00 : f32
        %broadcast_in_dim3A_66 = vector.broadcast %jit3A_65 : f32 to vector<32x16384xf32>
        %select_n3A_67 = arith.select %eq3A_61, %broadcast_in_dim3A_66, %get3A_64 : vector<32x16384xi1>, vector<32x16384xf32>
        %swap3A_68 = arith.constant 0 : index
        %swap3A_69 = arith.constant 0 : index
        %swap3A_70 = vector.load %arg8[%swap3A_68, %swap3A_69] : memref<32x16384xf32, #tpu.memory_space<vmem>>, vector<32x16384xf32>
        tpu.vector_store %arg8[%swap3A_68, %swap3A_69], %select_n3A_67 {strides = array<i32>} : memref<32x16384xf32, #tpu.memory_space<vmem>>, vector<32x16384xf32>,
        %jit3A_71 = arith.constant 0xFF800000 : f32
        %broadcast_in_dim3A_72 = vector.broadcast %jit3A_71 : f32 to vector<32x16384xf32>
        %select_n3A_73 = arith.select %eq3A_61, %broadcast_in_dim3A_72, %get3A_52 : vector<32x16384xi1>, vector<32x16384xf32>
        %swap3A_74 = arith.constant 0 : index
        %swap3A_75 = arith.constant 0 : index
        %swap3A_76 = vector.load %arg9[%swap3A_74, %swap3A_75] : memref<32x16384xf32, #tpu.memory_space<vmem>>, vector<32x16384xf32>
        tpu.vector_store %arg9[%swap3A_74, %swap3A_75], %select_n3A_73 {strides = array<i32>} : memref<32x16384xf32, #tpu.memory_space<vmem>>, vector<32x16384xf32>,
        %eq3A_77 = vector.broadcast %scan3A_47 : i32 to vector<32x16xi32>
        %eq3A_78 = arith.cmpi eq, %iota3A_14, %eq3A_77 : vector<32x16xi32>
        %broadcast_in_dim3A_79 = vector.shape_cast %broadcast_in_dim3A_59 : vector<32x1xi32> to vector<32x1xi32>
        %broadcast_in_dim3A_80 = vector.broadcast %broadcast_in_dim3A_79 : vector<32x1xi32> to vector<32x16xi32>
        %select_n3A_81 = arith.select %eq3A_78, %broadcast_in_dim3A_80, %scan3A_48 : vector<32x16xi1>, vector<32x16xi32>
        %eq3A_82 = vector.broadcast %scan3A_47 : i32 to vector<32x16xi32>
        %eq3A_83 = arith.cmpi eq, %iota3A_14, %eq3A_82 : vector<32x16xi32>
        %broadcast_in_dim3A_84 = vector.shape_cast %broadcast_in_dim3A_54 : vector<32x1xf32> to vector<32x1xf32>
        %broadcast_in_dim3A_85 = vector.broadcast %broadcast_in_dim3A_84 : vector<32x1xf32> to vector<32x16xf32>
        %select_n3A_86 = arith.select %eq3A_83, %broadcast_in_dim3A_85, %scan3A_49 : vector<32x16xi1>, vector<32x16xf32>
        scf.yield %select_n3A_81, %select_n3A_86 : vector<32x16xi32>, vector<32x16xf32>
      }
      %scan3A_23 = arith.constant 16 : i32
      %get3A_24 = arith.constant 0 : index
      %get3A_25 = arith.constant 0 : index
      %get3A_26 = vector.load %arg7[%get3A_24, %get3A_25] : memref<32x16384xf32, #tpu.memory_space<vmem>>, vector<32x16384xf32>
      %get3A_27 = arith.constant 0 : index
      %get3A_28 = arith.constant 0 : index
      %get3A_29 = vector.load %arg8[%get3A_27, %get3A_28] : memref<32x16384xf32, #tpu.memory_space<vmem>>, vector<32x16384xf32>
      %mul3A = arith.mulf %get3A_26, %get3A_29 : vector<32x16384xf32>
      %swap3A_30 = arith.constant 0 : index
      %swap3A_31 = arith.constant 0 : index
      %swap3A_32 = vector.load %arg4[%swap3A_30, %swap3A_31] : memref<32x16384xf32, #tpu.memory_space<vmem>>, vector<32x16384xf32>
      tpu.vector_store %arg4[%swap3A_30, %swap3A_31], %mul3A {strides = array<i32>} : memref<32x16384xf32, #tpu.memory_space<vmem>>, vector<32x16384xf32>,
      %broadcast_in_dim3A_33 = vector.shape_cast %scan3A_22#0 : vector<32x16xi32> to vector<32x16x1xi32>
      %broadcast_in_dim3A_34 = vector.shape_cast %broadcast_in_dim3A_33 : vector<32x16x1xi32> to vector<32x16x1xi32>
      %broadcast_in_dim3A_35 = vector.broadcast %broadcast_in_dim3A_34 : vector<32x16x1xi32> to vector<32x16x16xi32>
      %swap3A_36 = arith.constant 0 : index
      %swap3A_37 = arith.constant 0 : index
      %swap3A_38 = arith.constant 0 : index
      %swap3A_39 = vector.load %arg5[%swap3A_36, %swap3A_37, %swap3A_38] : memref<32x16x16xi32, #tpu.memory_space<vmem>>, vector<32x16x16xi32>
      tpu.vector_store %arg5[%swap3A_36, %swap3A_37, %swap3A_38], %broadcast_in_dim3A_35 {strides = array<i32>} : memref<32x16x16xi32, #tpu.memory_space<vmem>>, vector<32x16x16xi32>,
      %broadcast_in_dim3A_40 = vector.shape_cast %scan3A_22#1 : vector<32x16xf32> to vector<32x16x1xf32>
      %broadcast_in_dim3A_41 = vector.shape_cast %broadcast_in_dim3A_40 : vector<32x16x1xf32> to vector<32x16x1xf32>
      %broadcast_in_dim3A_42 = vector.broadcast %broadcast_in_dim3A_41 : vector<32x16x1xf32> to vector<32x16x16xf32>
      %swap3A_43 = arith.constant 0 : index
      %swap3A_44 = arith.constant 0 : index
      %swap3A_45 = arith.constant 0 : index
      %swap3A_46 = vector.load %arg6[%swap3A_43, %swap3A_44, %swap3A_45] : memref<32x16x16xf32, #tpu.memory_space<vmem>>, vector<32x16x16xf32>
      tpu.vector_store %arg6[%swap3A_43, %swap3A_44, %swap3A_45], %broadcast_in_dim3A_42 {strides = array<i32>} : memref<32x16x16xf32, #tpu.memory_space<vmem>>, vector<32x16x16xf32>,
    } else {
    }
    return
  }
  func.func @transform_0(%arg0: i32) -> (i32, i32) {
    %c0_i32 = arith.constant 0 : i32
    %c0_i32_0 = arith.constant 0 : i32
    %c0_i32_1 = arith.constant 0 : i32
    return %c0_i32, %c0_i32_0 : i32, i32
  }
  func.func @transform_1(%arg0: i32) -> (i32, i32) {
    %min3A = arith.constant 31 : i32
    %min3A_0 = arith.minsi %arg0, %min3A : i32
    %c0_i32 = arith.constant 0 : i32
    %c0_i32_1 = arith.constant 0 : i32
    return %min3A_0, %c0_i32 : i32, i32
  }
  func.func @transform_2(%arg0: i32) -> (i32, i32) {
    %c0_i32 = arith.constant 0 : i32
    %c0_i32_0 = arith.constant 0 : i32
    %c0_i32_1 = arith.constant 0 : i32
    return %c0_i32, %c0_i32_0 : i32, i32
  }
  func.func @transform_3(%arg0: i32) -> (i32, i32) {
    %c0_i32 = arith.constant 0 : i32
    %c0_i32_0 = arith.constant 0 : i32
    %c0_i32_1 = arith.constant 0 : i32
    return %c0_i32, %c0_i32_0 : i32, i32
  }
  func.func @transform_4(%arg0: i32) -> (i32, i32, i32) {
    %c0_i32 = arith.constant 0 : i32
    %c0_i32_0 = arith.constant 0 : i32
    %c0_i32_1 = arith.constant 0 : i32
    %c0_i32_2 = arith.constant 0 : i32
    return %c0_i32, %c0_i32_0, %c0_i32_1 : i32, i32, i32
  }
  func.func @transform_5(%arg0: i32) -> (i32, i32, i32) {
    %c0_i32 = arith.constant 0 : i32
    %c0_i32_0 = arith.constant 0 : i32
    %c0_i32_1 = arith.constant 0 : i32
    %c0_i32_2 = arith.constant 0 : i32
    return %c0_i32, %c0_i32_0, %c0_i32_1 : i32, i32, i32
  }
}

</mosaic_0001>

<sc_bundles>
// kernel: kernel.4.cloned.1.call-start
scs
__scs_entry_jumppad:
0x0: {  	(pc) =	sbr.rel $0x88, $3  }
0x1: {  	(tag) =	ssettag $0x0;
	lr =	simm.s32 $0x1  }
0x2: {  	[smem:$0x3F9C] =	sst lr;
	_ =	strace $0xD0000000  }
0x3: {  	_ = 	snop  }
0x4: {  	_ = 	snop  }
0x5: {  	_ = 	snop  }
0x6: {  	_ = 	snop  }
0x7: {  	_ = 	snop  }
__scs_overlays_trampoline_lowered:
0x8: {  	[smem:$0x3FAB] =	sst s0  }
0x9: {  	[smem:$0x3FAC] =	sst s1  }
0xa: {  	[smem:$0x3FAD] =	sst s2  }
0xb: {  	[smem:$0x3FAE] =	sst s3  }
0xc: {  	[smem:$0x3FAF] =	sst s4  }
0xd: {  	[smem:$0x3FB0] =	sst s5  }
0xe: {  	[smem:$0x3FB1] =	sst s6  }
0xf: {  	[smem:$0x3FB2] =	sst s7  }
0x10: {  	[smem:$0x3FB3] =	sst s8  }
0x11: {  	[smem:$0x3FB4] =	sst s9;
	s0 =	simm.s32 @!p0 $0x0  }
0x12: {  	s1 =	sld [smem:$0x3F9A];
	s0 =	simm.s32 @p0 $0x1  }
0x13: {  	[smem:$0x3FB5] =	sst s0;
	s0 =	simm.s32 @!p1 $0x0  }
0x14: {  	s2 =	sld [smem:$0x3F99];
	s0 =	simm.s32 @p1 $0x1  }
0x15: {  	[smem:$0x3FB6] =	sst s0;
	s0 =	simm.s32 @!p2 $0x0  }
0x16: {  	s3 =	sld [smem:$0x3FDB];
	s0 =	simm.s32 @p2 $0x1  }
0x17: {  	s4 =	simm.s32 $0x1BF5;
	[smem:$0x3FB8] =	sst s0  }
0x18: {  	s0 =	sld [smem:$0x3F9B];
	_ =	swait.ge [sflag:s4], $0x0  }
0x19: {  	s7 =	sld [smem:$0x3F9C]  }
0x1a: {  	s8 =	sadd.s32 $0xFFFFE003, lr  }
0x1b: {  	s9 =	sadd.s32 $0xFFFFFEF7, lr;
	s5 =	simm.s32 $0xFFFFFFFF;
	p2 =	slt.u32 s8, $0xFFFFF086  }
0x1c: {  	p1 =	slt.u32 s9, $0xF7A;
	s5 =	simm.s32 @!p2 $0x0  }
0x1d: {  	s5 =	simm.s32 @p1 $0x1;
	p0 =	seq.s32 s7, s2  }
0x1e: {  	s7 =	smul.u32 @!p0 $0xF7A, s2;
	p2 =	seq.s32 @!p0 s5, $0x0  }
0x1f: {  	s9 =	smul.u32 $0xF7A, s1;
	s8 =	simm.s32 @!p0 $0x1BF5;
	p2 =	por !p2, p0  }
0x20: {  	[sflag:s8] =	ssyncset.s32 @!p0 $0xFFFFF086;
	s6 =	sadd.s32 @!p0 s3, s7;
	s7 =	simm.s32 @!p0 $0x108  }
0x21: {  	s3 =	sadd.s32 s3, s9;
	s6 =	sadd.s32 @!p0 $0x88, s6;
	s7 =	simm.s32 @p2 $0x1082  }
0x22: {  	[simem:s7], [sflag:s8] =	dma.local @!p0 [hbm:s6], $0xF7A  }
0x23: {  	s9 =	sor.u32 $0xD0000000, s2;
	s6 =	simm.s32 $0x108;
	_ =	swait.ge @!p0 [sflag:s8], $0x0  }
0x24: {  	s3 =	sadd.s32 $0x88, s3;
	s6 =	simm.s32 @!p1 $0x1082;
	[sflag:s4] =	ssyncset.s32 $0xFFFFF086  }
0x25: {  	[simem:s6], [sflag:s4] =	dma.local [hbm:s3], $0xF7A  }
0x26: {  	[smem:$0x3F9C] =	sst s1;
	(tag) =	ssettag s2;
	_ =	strace s9  }
0x27: {  	s1 =	sld [smem:$0x3FAC]  }
0x28: {  	s2 =	sld [smem:$0x3FAD]  }
0x29: {  	s4 =	sld [smem:$0x3FAF]  }
0x2a: {  	p0 =	seq.s32 s5, $0x0;
	s5 =	sld [smem:$0x3FB0]  }
0x2b: {  	s6 =	sld [smem:$0x3FB1]  }
0x2c: {  	s7 =	sld [smem:$0x3FB2]  }
0x2d: {  	s3 =	simm.s32 $0x108;
	s8 =	sld [smem:$0x3FB3]  }
0x2e: {  	s3 =	simm.s32 @!p0 $0x1082;
	s9 =	sld [smem:$0x3FB4]  }
0x2f: {  	lr =	sadd.s32 s0, s3;
	s0 =	sld [smem:$0x3FAB]  }
0x30: {  	s3 =	sld [smem:$0x3FAE]  }
0x31: {  	[smem:$0x3FB7] =	sst s10  }
0x32: {  	s10 =	sld [smem:$0x3FB5];
	_ =	sdelay $0x3  }
0x33: {  	p0 =	seq.s32 s10, $0x1;
	s10 =	sld [smem:$0x3FB7];
	_ =	sdelay $0x3  }
0x34: {  	[smem:$0x3FB7] =	sst s10  }
0x35: {  	s10 =	sld [smem:$0x3FB6];
	_ =	sdelay $0x3  }
0x36: {  	p1 =	seq.s32 s10, $0x1;
	s10 =	sld [smem:$0x3FB7];
	_ =	sdelay $0x3  }
0x37: {  	[smem:$0x3FB7] =	sst s10  }
0x38: {  	s10 =	sld [smem:$0x3FB8]  }
0x39: {  	_ = 	snop;
	(pc) =	sbr.ind lr, $3  }
0x3a: {  	_ = 	snop  }
0x3b: {  	_ = 	snop  }
0x3c: {  	p2 =	seq.s32 s10, $0x1;
	s10 =	sld [smem:$0x3FB7]  }
0x3d: {  	_ =	shalt  }
0x3e: {  	_ =	shalt  }
0x3f: {  	_ =	shalt  }
0x40: {  	_ =	shalt  }
0x41: {  	_ =	shalt  }
0x42: {  	_ =	shalt  }
0x43: {  	_ =	shalt  }
0x44: {  	_ =	shalt  }
0x45: {  	_ =	shalt  }
0x46: {  	_ =	shalt  }
0x47: {  	_ =	shalt  }
0x48: {  	_ =	shalt  }
0x49: {  	_ =	shalt  }
0x4a: {  	_ =	shalt  }
0x4b: {  	_ =	shalt  }
0x4c: {  	_ =	shalt  }
0x4d: {  	_ =	shalt  }
0x4e: {  	_ =	shalt  }
0x4f: {  	_ =	shalt  }
0x50: {  	_ =	shalt  }
0x51: {  	_ =	shalt  }
0x52: {  	_ =	shalt  }
0x53: {  	_ =	shalt  }
0x54: {  	_ =	shalt  }
0x55: {  	_ =	shalt  }
0x56: {  	_ =	shalt  }
0x57: {  	_ =	shalt  }
0x58: {  	_ =	shalt  }
0x59: {  	_ =	shalt  }
0x5a: {  	_ =	shalt  }
0x5b: {  	_ =	shalt  }
0x5c: {  	_ =	shalt  }
0x5d: {  	_ =	shalt  }
0x5e: {  	_ =	shalt  }
0x5f: {  	_ =	shalt  }
0x60: {  	_ =	shalt  }
0x61: {  	_ =	shalt  }
0x62: {  	_ =	shalt  }
0x63: {  	_ =	shalt  }
0x64: {  	_ =	shalt  }
0x65: {  	_ =	shalt  }
0x66: {  	_ =	shalt  }
0x67: {  	_ =	shalt  }
0x68: {  	_ =	shalt  }
0x69: {  	_ =	shalt  }
0x6a: {  	_ =	shalt  }
0x6b: {  	_ =	shalt  }
0x6c: {  	_ =	shalt  }
0x6d: {  	_ =	shalt  }
0x6e: {  	_ =	shalt  }
0x6f: {  	_ =	shalt  }
0x70: {  	_ =	shalt  }
0x71: {  	_ =	shalt  }
0x72: {  	_ =	shalt  }
0x73: {  	_ =	shalt  }
0x74: {  	_ =	shalt  }
0x75: {  	_ =	shalt  }
0x76: {  	_ =	shalt  }
0x77: {  	_ =	shalt  }
0x78: {  	_ =	shalt  }
0x79: {  	_ =	shalt  }
0x7a: {  	_ =	shalt  }
0x7b: {  	_ =	shalt  }
0x7c: {  	_ =	shalt  }
0x7d: {  	_ =	shalt  }
0x7e: {  	_ =	shalt  }
0x7f: {  	_ =	shalt  }
0x80: {  	_ =	shalt  }
0x81: {  	_ =	shalt  }
0x82: {  	_ =	shalt  }
0x83: {  	_ =	shalt  }
0x84: {  	_ =	shalt  }
0x85: {  	_ =	shalt  }
0x86: {  	_ =	shalt  }
0x87: {  	_ =	shalt  }
.Lfunc_end0:
.L_simem_size_0:
called_computation.1_lowered:
.L_overlay_start_0:
0x88: {  	s2 =	sld [smem:$0x3FD9]  }
0x89: {  	s3 =	sld [smem:$0x3FFE];
	_ =	sdelay $0x1  }
0x8a: {  	s1 =	srdreg.scid  }
0x8b: {  	s0 =	sand.u32 $0x1, s1  }
0x8c: {  	s14 =	sshll.u32 s0, $0xA;
	s2 =	sadd.s32 s3, s2  }
0x8d: {  	s2 =	sadd.s32 s2, s14  }
0x8e: {  	[smem:$0x3FC3] =	sst s2  }
0x8f: {  	_ = 	snop  }
0x90: {  	s2 =	sld [smem:$0x3FD0];
	_ =	sdelay $0x2  }
0x91: {  	s4 =	simm.s32 $0xA;
	s5 =	simm.s32 $0x10;
	s15 =	sld [smem:$0x3FC5]  }
0x92: {  	[smem:s5], [sflag:s4] =	dma.local [hbm:s2], $0x1  }
0x93: {  	_ =	swait.eq [sflag:s4], $0x1  }
0x94: {  	[sflag:s4] =	ssyncset.done $0x0  }
0x95: {  	[sflag:s4] =	ssyncadd.s32 $0xFFFFFFFF  }
0x96: {  	s16 =	sld [smem:$0x10];
	(tm) =	ssettm $0x1  }
0x97: {  	s17 =	sld [smem:$0x3FFB];
	_ =	sdelay $0x3  }
0x98: {  	_ =	strace s17  }
0x99: {  	s4 =	sld [smem:$0x3FFC];
	_ =	sdelay $0x3  }
0x9a: {  	_ =	strace s4  }
0x9b: {  	s4 =	sld [smem:$0x3FFD];
	_ =	sdelay $0x3  }
0x9c: {  	_ =	strace s4  }
0x9d: {  	_ =	strace $0x8FFFFFFF  }
0x9e: {  	s18 =	sld [smem:$0x3FDB];
	_ =	sdelay $0x1  }
0x9f: {  	s19 =	simm.s32 $_scs_section_size  }
0xa0: {  	s6 =	simm.s32 $_size__tile_overlayer_lowered;
	s7 =	simm.s32 $_tile_overlayer_lowered  }
0xa1: {  	s22 =	simm.s32 $0x1BFF;
	s21 =	sshll.u32 s7, $0x1;
	s4 =	sadd.s32 s19, s18  }
0xa2: {  	s8 =	simm.s32 $0x0;
	s20 =	sshll.u32 s6, $0x1;
	s6 =	sadd.s32 s21, s4  }
0xa3: {  	[timem:s8], [sflag:s22] =	dma.local [hbm:s6], s20  }
0xa4: {  	_ =	swait.ge [sflag:s22], s20  }
0xa5: {  	s5 =	ssub.s32 $0x0, s20;
	[sflag:s22] =	ssyncset.done $0x0  }
0xa6: {  	[sflag:s22] =	ssyncadd.s32 s5;
	_ =	sdelay $0x1  }
0xa7: {  	s23 =	simm.s32 $0x1B8B  }
0xa8: {  	_ =	swait.ge [sflag:s23], $0x1  }
0xa9: {  	[sflag:s23] =	ssyncset.done $0x0  }
0xaa: {  	s25 =	simm.s32 $0x1B8E;
	s24 =	sld [smem:$0x3FFE];
	[sflag:s23] =	ssyncadd.s32 $0xFFFFFFFF  }
0xab: {  	s26 =	simm.s32 $execute0_lowered;
	[smem:$0x3FD2] =	sst s25  }
0xac: {  	s6 =	sshll.u32 s26, $0x1;
	_ =	strace $0x80000049;
	[dreg:$0x1] =	wrdreg $0xFFFFFFFF  }
0xad: {  	s28 =	simm.s32 $_size_execute0_lowered;
	s4 =	sadd.s32 s4, s6;
	[dreg:$0x0] =	wrdreg $0x0  }
0xae: {  	s6 =	sshll.u32 s28, $0x1;
	[dreg:$0x2] =	wrdreg s4  }
0xaf: {  	[dreg:$0x3] =	wrdreg s6  }
0xb0: {  	[dreg:$0x4] =	wrdreg $0xC0  }
0xb1: {  	_ =	task [dreg:s8], $0x5FFFF  }
0xb2: {  	[dreg:$0x1] =	wrdreg $0xFFFFFFFF  }
0xb3: {  	[dreg:$0x0] =	wrdreg $0x60  }
0xb4: {  	[dreg:$0x2] =	wrdreg s24  }
0xb5: {  	[dreg:$0x3] =	wrdreg s15  }
0xb6: {  	[dreg:$0x4] =	wrdreg s16  }
0xb7: {  	[dreg:$0x5] =	wrdreg $0x9  }
0xb8: {  	_ =	task.clear_ibuf [dreg:s8], $0x6FFFF;
	_ =	strace $0x90000049  }
0xb9: {  	s29 =	simm.s32 $0x9;
	_ =	strace $0x8000004B  }
0xba: {  	_ =	swait.ge [sflag:s29], $0x1  }
0xbb: {  	[sflag:s29] =	ssyncadd.s32 $0xFFFFFFFF  }
0xbc: {  	_ =	strace $0x9000004B  }
0xbd: {  	_ =	sfence  }
0xbe: {  	s30 =	sld [smem:$0x0];
	_ =	sdelay $0x2  }
0xbf: {  	s31 =	sshll.u32 s1, $0xD;
	s1 =	sshrl.u32 s1, $0x2  }
0xc0: {  	s3 =	sand.u32 $0x4000, s31;
	s1 =	sadd.s32 s1, s30  }
0xc1: {  	s0 =	sor.u32 s3, s0;
	s1 =	sshll.u32 s1, $0x11  }
0xc2: {  	s0 =	sor.u32 s1, s0  }
0xc3: {  	s0 =	sadd.s32 $0x8F2B, s0  }
0xc4: {  	[sflag:s0] =	ssyncadd.remote.s32 $0x1  }
0xc5: {  	_ =	sfence.sel $0xFFFF  }
0xc6: {  	[dreg:$0x0] =	wrdreg $0xFFFFFFFF;
	(pc) =	sbr.abs _section_cstart, $3  }
0xc7: {  	[dreg:$0x1] =	wrdreg $0xFFFFFFFF  }
0xc8: {  	_ =	task.clear_ibuf [dreg:s8], $0x2FFFF;
	_ =	strace $0x9FFFFFFF  }
0xc9: {  	(tm) =	ssettm $0x7FFFFFFF  }
tec
execute0_lowered:
.L_overlay_start_1:
0x0: {  	(tag) =	ssettag $0x1  }
0x1: {  	s5 =	rddreg [dreg:$0x0]  }
0x2: {  	s1 =	rddreg [dreg:$0x1]  }
0x3: {  	s7 =	rddreg [dreg:$0x2];
	s2 =	srdreg.scid  }
0x4: {  	s0 =	rddreg [dreg:$0x3];
	s3 =	simm.s32 $0x0;
	s12 =	simm.s32 $0x3000  }
0x5: {  	s13 =	simm.s32 $0x5000;
	s14 =	simm.s32 $0x4000;
	s15 =	simm.s32 $0x6000  }
0x6: {  	s16 =	simm.s32 $0x1;
	s17 =	simm.s32 $0x2;
	s18 =	simm.s32 $0x80  }
0x7: {  	s19 =	simm.s32 $0x400;
	s20 =	simm.s32 $0x2000;
	s21 =	simm.s32 $0x0  }
0x8: {  	s4 =	sand.u32 $0x1, s2;
	[smem:$0x7FF] =	sst s3;
	s2 =	stileid.u32  }
0x9: {  	s6 =	sshll.u32 s4, $0x4;
	_ =	strace $0x8000004A;
	s8 =	ssub.s32 $0x2, s4  }
0xa: {  	s4 =	sadd.s32 $0x1200, s5;
	s6 =	sor.u32 s2, s6;
	s10 =	sshrl.u32 s8, $0x1  }
0xb: {  	s30 =	sshll.u32 s2, $0x4;
	s9 =	sshll.u32 s6, $0x8;
	s8 =	ssub.s32 s8, s10  }
0xc: {  	s11 =	sshll.u32 s6, $0x9;
	s10 =	sand.u32 $0x70, s30;
	s9 =	sadd.s32 s9, s5  }
0xd: {  	s31 =	sand.u32 $0x3000, s11;
	s7 =	sadd.s32 s7, s10;
	s8 =	smax.u32 s8, $0x1  }
0xe: {  	v0 =	vlaneseq.u32;
	s10 =	simm.s32 $0x800;
	s11 =	simm.s32 $0x1000;
	s5 =	sadd.s32 $0x801200, s9  }
0xf: {  	v0 =	vmul.u32 $0x4000, v0;
	s6 =	sadd.s32 $0x803200, s9;
	s7 =	sadd.s32 s31, s7;
	s9 =	simm.s32 $0x3  }
.LBB2_1:
0x10: {  	[tilespmem:s3], [sflag:$0x3] =	stream.linear.gather [hbm4b:s5+s3], $0x800, $0x38;
	[tilespmem:$0x7000] =	vst v63  }
0x11: {  	_ =	swait.ge [sflag:s9], $0x800  }
0x12: {  	[sflag:s9] =	ssyncset.done $0x0  }
0x13: {  	[sflag:s9] =	ssyncadd.s32 $0xFFFFF800  }
0x14: {  	[tilespmem:s10], [sflag:$0x3] =	stream.linear.gather [hbm4b:s6+s3], $0x800, $0x38;
	[tilespmem:$0x7000] =	vst v63  }
0x15: {  	_ =	swait.ge [sflag:s9], $0x800  }
0x16: {  	[sflag:s9] =	ssyncset.done $0x0  }
0x17: {  	[sflag:s9] =	ssyncadd.s32 $0xFFFFF800  }
0x18: {  	[tilespmem:s11], [sflag:$0x3] =	stream.linear.gather [hbm4b:s1+s3], $0x1000, $0x38;
	[tilespmem:$0x7000] =	vst v63  }
0x19: {  	_ =	swait.ge [sflag:s9], $0x1000  }
0x1a: {  	[sflag:s9] =	ssyncset.done $0x0  }
0x1b: {  	[sflag:s9] =	ssyncadd.s32 $0xFFFFF000  }
0x1c: {  	v1 =	vld [tilespmem:$0x0];
	_ =	sdelay $0x4  }
0x1d: {  	v1 =	vadd.s32 v0, v1  }
0x1e: {  	v2 =	vadd.s32 s3, v1  }
0x1f: {  	s22 =	simm.s32 $0x40000;
	s23 =	simm.s32 $0x3000;
	[tilespmem:s12+$0x0] =	vst v2  }
.LBB2_2:
0x20: {  	p0 =	sne.s32 s22, $0x3FC0000  }
.Ltmp0:
0x21: {  	_ = 	snop;
	(pc) =	sbr.rel @p0 .LBB2_2-.Ltmp0, $3  }
0x22: {  	_ =	sdelay $0x1  }
0x23: {  	v2 =	vadd.s32 s22, v1;
	s22 =	sadd.s32 $0x40000, s22;
	s23 =	sadd.s32 $0x10, s23  }
0x24: {  	[tilespmem:s23+$0x0] =	vst v2  }
0x25: {  	[tilespmem:s13], [sflag:$0x1] =	stream.indirect.gather [hbm4b:s4+s11], $0x1, s12, s11, $0xb8;
	[tilespmem:$0x7000] =	vst v63  }
0x26: {  	v1 =	vld [tilespmem:$0x80];
	_ =	sdelay $0x4  }
0x27: {  	s23 =	simm.s32 $0x0;
	v1 =	vadd.s32 v0, v1  }
0x28: {  	s22 =	simm.s32 $0x4000;
	v2 =	vadd.s32 s23, v1  }
0x29: {  	s23 =	simm.s32 $0x40000;
	[tilespmem:s22+$0x0] =	vst v2  }
.LBB2_4:
0x2a: {  	p0 =	sne.s32 s23, $0x3FC0000  }
.Ltmp1:
0x2b: {  	_ = 	snop;
	(pc) =	sbr.rel @p0 .LBB2_4-.Ltmp1, $3  }
0x2c: {  	_ =	sdelay $0x1  }
0x2d: {  	v2 =	vadd.s32 s23, v1;
	s23 =	sadd.s32 $0x40000, s23;
	s22 =	sadd.s32 $0x10, s22  }
0x2e: {  	[tilespmem:s22+$0x0] =	vst v2  }
0x2f: {  	[tilespmem:s15], [sflag:$0x2] =	stream.indirect.gather [hbm4b:s4+s11], $0x1, s14, s11, $0xb8;
	[tilespmem:$0x7000] =	vst v63  }
0x30: {  	_ =	swait.ge [sflag:s16], $0x1000  }
0x31: {  	[sflag:s16] =	ssyncset.done $0x0  }
0x32: {  	[sflag:s16] =	ssyncadd.s32 $0xFFFFF000  }
0x33: {  	s22 =	simm.s32 $0x0;
	v1 =	vld [tilespmem:$0x800]  }
0x34: {  	v2 =	vld [tilespmem:s22+$0x5000];
	_ =	sdelay $0x1  }
0x35: {  	v3 =	vld [tilespmem:s22+$0x1000]  }
0x36: {  	s23 =	simm.s32 $0x40  }
.LBB2_6:
0x37: {  	p0 =	sne.s32 s23, $0x3FC0  }
.Ltmp2:
0x38: {  	s24 =	sshra.s32 s23, $0x2;
	s23 =	sadd.s32 $0x40, s23;
	v4 =	vmul.f32 v2, v1;
	(pc) =	sbr.rel @p0 .LBB2_6-.Ltmp2, $4  }
0x39: {  	v2 =	vld [tilespmem:s24+$0x5000]  }
0x3a: {  	v4 =	vadd.f32 v4, v3  }
0x3b: {  	v3 =	vld [tilespmem:s24+$0x1000]  }
0x3c: {  	[tilespmem:s22+$0x2000] =	vst v4;
	s22 =	smov.u32 s24  }
0x3d: {  	_ = 	snop  }
0x3e: {  	v1 =	vmul.f32 v2, v1;
	_ =	sdelay $0x1  }
0x3f: {  	v1 =	vadd.f32 v1, v3;
	_ =	sdelay $0x1  }
0x40: {  	[tilespmem:s22+$0x2000] =	vst v1  }
0x41: {  	v1 =	vld [tilespmem:$0x100];
	_ =	sdelay $0x4  }
0x42: {  	s23 =	simm.s32 $0x0;
	v1 =	vadd.s32 v0, v1  }
0x43: {  	s22 =	simm.s32 $0x3000;
	v2 =	vadd.s32 s23, v1  }
0x44: {  	s23 =	simm.s32 $0x40000;
	[tilespmem:s22+$0x0] =	vst v2  }
.LBB2_8:
0x45: {  	p0 =	sne.s32 s23, $0x3FC0000  }
.Ltmp3:
0x46: {  	_ = 	snop;
	(pc) =	sbr.rel @p0 .LBB2_8-.Ltmp3, $3  }
0x47: {  	_ =	sdelay $0x1  }
0x48: {  	v2 =	vadd.s32 s23, v1;
	s23 =	sadd.s32 $0x40000, s23;
	s22 =	sadd.s32 $0x10, s22  }
0x49: {  	[tilespmem:s22+$0x0] =	vst v2  }
0x4a: {  	[tilespmem:s13], [sflag:$0x1] =	stream.indirect.gather [hbm4b:s4+s11], $0x1, s12, s11, $0xb8;
	[tilespmem:$0x7000] =	vst v63  }
0x4b: {  	_ =	swait.ge [sflag:s17], $0x1000  }
0x4c: {  	[sflag:s17] =	ssyncset.done $0x0  }
0x4d: {  	[sflag:s17] =	ssyncadd.s32 $0xFFFFF000  }
0x4e: {  	s22 =	simm.s32 $0x0;
	v1 =	vld [tilespmem:$0x880]  }
0x4f: {  	v2 =	vld [tilespmem:s22+$0x6000];
	_ =	sdelay $0x1  }
0x50: {  	v3 =	vld [tilespmem:s22+$0x2000];
	_ =	sdelay $0x2  }
0x51: {  	v2 =	vmul.f32 v2, v1;
	_ =	sdelay $0x1  }
0x52: {  	s24 =	simm.s32 $0x10;
	s23 =	simm.s32 $0x80;
	v2 =	vadd.f32 v2, v3  }
.LBB2_10:
0x53: {  	p0 =	sne.s32 s23, $0x3FC0;
	v3 =	vld [tilespmem:s24+$0x6000]  }
0x54: {  	[tilespmem:s22+$0x2000] =	vst v2;
	s22 =	smov.u32 s24  }
0x55: {  	v2 =	vld [tilespmem:s22+$0x2000]  }
.Ltmp4:
0x56: {  	(pc) =	sbr.rel @p0 .LBB2_10-.Ltmp4, $3  }
0x57: {  	_ = 	snop  }
0x58: {  	v3 =	vmul.f32 v3, v1;
	_ =	sdelay $0x1  }
0x59: {  	s24 =	sshra.s32 s23, $0x2;
	s23 =	sadd.s32 $0x40, s23;
	v2 =	vadd.f32 v3, v2  }
0x5a: {  	v3 =	vld [tilespmem:s24+$0x6000]  }
0x5b: {  	[tilespmem:s22+$0x2000] =	vst v2  }
0x5c: {  	v2 =	vld [tilespmem:s24+$0x2000];
	_ =	sdelay $0x2  }
0x5d: {  	v1 =	vmul.f32 v3, v1;
	_ =	sdelay $0x1  }
0x5e: {  	v1 =	vadd.f32 v1, v2;
	_ =	sdelay $0x1  }
0x5f: {  	[tilespmem:s24+$0x2000] =	vst v1  }
0x60: {  	v1 =	vld [tilespmem:$0x180];
	_ =	sdelay $0x4  }
0x61: {  	s23 =	simm.s32 $0x0;
	v1 =	vadd.s32 v0, v1  }
0x62: {  	s22 =	simm.s32 $0x4000;
	v2 =	vadd.s32 s23, v1  }
0x63: {  	s23 =	simm.s32 $0x40000;
	[tilespmem:s22+$0x0] =	vst v2  }
.LBB2_12:
0x64: {  	p0 =	sne.s32 s23, $0x3FC0000  }
.Ltmp5:
0x65: {  	_ = 	snop;
	(pc) =	sbr.rel @p0 .LBB2_12-.Ltmp5, $3  }
0x66: {  	_ =	sdelay $0x1  }
0x67: {  	v2 =	vadd.s32 s23, v1;
	s23 =	sadd.s32 $0x40000, s23;
	s22 =	sadd.s32 $0x10, s22  }
0x68: {  	[tilespmem:s22+$0x0] =	vst v2  }
0x69: {  	[tilespmem:s15], [sflag:$0x2] =	stream.indirect.gather [hbm4b:s4+s11], $0x1, s14, s11, $0xb8;
	[tilespmem:$0x7000] =	vst v63  }
0x6a: {  	_ =	swait.ge [sflag:s16], $0x1000  }
0x6b: {  	[sflag:s16] =	ssyncset.done $0x0  }
0x6c: {  	[sflag:s16] =	ssyncadd.s32 $0xFFFFF000  }
0x6d: {  	s22 =	simm.s32 $0x0;
	v1 =	vld [tilespmem:$0x900]  }
0x6e: {  	v2 =	vld [tilespmem:s22+$0x5000];
	_ =	sdelay $0x1  }
0x6f: {  	v3 =	vld [tilespmem:s22+$0x2000];
	_ =	sdelay $0x2  }
0x70: {  	v2 =	vmul.f32 v2, v1;
	_ =	sdelay $0x1  }
0x71: {  	s24 =	simm.s32 $0x10;
	s23 =	simm.s32 $0x80;
	v2 =	vadd.f32 v2, v3  }
.LBB2_14:
0x72: {  	p0 =	sne.s32 s23, $0x3FC0;
	v3 =	vld [tilespmem:s24+$0x5000]  }
0x73: {  	[tilespmem:s22+$0x2000] =	vst v2;
	s22 =	smov.u32 s24  }
0x74: {  	v2 =	vld [tilespmem:s22+$0x2000]  }
.Ltmp6:
0x75: {  	(pc) =	sbr.rel @p0 .LBB2_14-.Ltmp6, $3  }
0x76: {  	_ = 	snop  }
0x77: {  	v3 =	vmul.f32 v3, v1;
	_ =	sdelay $0x1  }
0x78: {  	s24 =	sshra.s32 s23, $0x2;
	s23 =	sadd.s32 $0x40, s23;
	v2 =	vadd.f32 v3, v2  }
0x79: {  	v3 =	vld [tilespmem:s24+$0x5000]  }
0x7a: {  	[tilespmem:s22+$0x2000] =	vst v2  }
0x7b: {  	v2 =	vld [tilespmem:s24+$0x2000];
	_ =	sdelay $0x2  }
0x7c: {  	v1 =	vmul.f32 v3, v1;
	_ =	sdelay $0x1  }
0x7d: {  	v1 =	vadd.f32 v1, v2;
	_ =	sdelay $0x1  }
0x7e: {  	[tilespmem:s24+$0x2000] =	vst v1  }
0x7f: {  	v1 =	vld [tilespmem:$0x200];
	_ =	sdelay $0x4  }
0x80: {  	s23 =	simm.s32 $0x0;
	v1 =	vadd.s32 v0, v1  }
0x81: {  	s22 =	simm.s32 $0x3000;
	v2 =	vadd.s32 s23, v1  }
0x82: {  	s23 =	simm.s32 $0x40000;
	[tilespmem:s22+$0x0] =	vst v2  }
.LBB2_16:
0x83: {  	p0 =	sne.s32 s23, $0x3FC0000  }
.Ltmp7:
0x84: {  	_ = 	snop;
	(pc) =	sbr.rel @p0 .LBB2_16-.Ltmp7, $3  }
0x85: {  	_ =	sdelay $0x1  }
0x86: {  	v2 =	vadd.s32 s23, v1;
	s23 =	sadd.s32 $0x40000, s23;
	s22 =	sadd.s32 $0x10, s22  }
0x87: {  	[tilespmem:s22+$0x0] =	vst v2  }
0x88: {  	[tilespmem:s13], [sflag:$0x1] =	stream.indirect.gather [hbm4b:s4+s11], $0x1, s12, s11, $0xb8;
	[tilespmem:$0x7000] =	vst v63  }
0x89: {  	_ =	swait.ge [sflag:s17], $0x1000  }
0x8a: {  	[sflag:s17] =	ssyncset.done $0x0  }
0x8b: {  	[sflag:s17] =	ssyncadd.s32 $0xFFFFF000  }
0x8c: {  	s22 =	simm.s32 $0x0;
	v1 =	vld [tilespmem:$0x980]  }
0x8d: {  	v2 =	vld [tilespmem:s22+$0x6000];
	_ =	sdelay $0x1  }
0x8e: {  	v3 =	vld [tilespmem:s22+$0x2000];
	_ =	sdelay $0x2  }
0x8f: {  	v2 =	vmul.f32 v2, v1;
	_ =	sdelay $0x1  }
0x90: {  	s24 =	simm.s32 $0x10;
	s23 =	simm.s32 $0x80;
	v2 =	vadd.f32 v2, v3  }
.LBB2_18:
0x91: {  	p0 =	sne.s32 s23, $0x3FC0;
	v3 =	vld [tilespmem:s24+$0x6000]  }
0x92: {  	[tilespmem:s22+$0x2000] =	vst v2;
	s22 =	smov.u32 s24  }
0x93: {  	v2 =	vld [tilespmem:s22+$0x2000]  }
.Ltmp8:
0x94: {  	(pc) =	sbr.rel @p0 .LBB2_18-.Ltmp8, $3  }
0x95: {  	_ = 	snop  }
0x96: {  	v3 =	vmul.f32 v3, v1;
	_ =	sdelay $0x1  }
0x97: {  	s24 =	sshra.s32 s23, $0x2;
	s23 =	sadd.s32 $0x40, s23;
	v2 =	vadd.f32 v3, v2  }
0x98: {  	v3 =	vld [tilespmem:s24+$0x6000]  }
0x99: {  	[tilespmem:s22+$0x2000] =	vst v2  }
0x9a: {  	v2 =	vld [tilespmem:s24+$0x2000];
	_ =	sdelay $0x2  }
0x9b: {  	v1 =	vmul.f32 v3, v1;
	_ =	sdelay $0x1  }
0x9c: {  	v1 =	vadd.f32 v1, v2;
	_ =	sdelay $0x1  }
0x9d: {  	[tilespmem:s24+$0x2000] =	vst v1  }
0x9e: {  	v1 =	vld [tilespmem:$0x280];
	_ =	sdelay $0x4  }
0x9f: {  	s23 =	simm.s32 $0x0;
	v1 =	vadd.s32 v0, v1  }
0xa0: {  	s22 =	simm.s32 $0x4000;
	v2 =	vadd.s32 s23, v1  }
0xa1: {  	s23 =	simm.s32 $0x40000;
	[tilespmem:s22+$0x0] =	vst v2  }
.LBB2_20:
0xa2: {  	p0 =	sne.s32 s23, $0x3FC0000  }
.Ltmp9:
0xa3: {  	_ = 	snop;
	(pc) =	sbr.rel @p0 .LBB2_20-.Ltmp9, $3  }
0xa4: {  	_ =	sdelay $0x1  }
0xa5: {  	v2 =	vadd.s32 s23, v1;
	s23 =	sadd.s32 $0x40000, s23;
	s22 =	sadd.s32 $0x10, s22  }
0xa6: {  	[tilespmem:s22+$0x0] =	vst v2  }
0xa7: {  	[tilespmem:s15], [sflag:$0x2] =	stream.indirect.gather [hbm4b:s4+s11], $0x1, s14, s11, $0xb8;
	[tilespmem:$0x7000] =	vst v63  }
0xa8: {  	_ =	swait.ge [sflag:s16], $0x1000  }
0xa9: {  	[sflag:s16] =	ssyncset.done $0x0  }
0xaa: {  	[sflag:s16] =	ssyncadd.s32 $0xFFFFF000  }
0xab: {  	s22 =	simm.s32 $0x0;
	v1 =	vld [tilespmem:$0xA00]  }
0xac: {  	v2 =	vld [tilespmem:s22+$0x5000];
	_ =	sdelay $0x1  }
0xad: {  	v3 =	vld [tilespmem:s22+$0x2000];
	_ =	sdelay $0x2  }
0xae: {  	v2 =	vmul.f32 v2, v1;
	_ =	sdelay $0x1  }
0xaf: {  	s24 =	simm.s32 $0x10;
	s23 =	simm.s32 $0x80;
	v2 =	vadd.f32 v2, v3  }
.LBB2_22:
0xb0: {  	p0 =	sne.s32 s23, $0x3FC0;
	v3 =	vld [tilespmem:s24+$0x5000]  }
0xb1: {  	[tilespmem:s22+$0x2000] =	vst v2;
	s22 =	smov.u32 s24  }
0xb2: {  	v2 =	vld [tilespmem:s22+$0x2000]  }
.Ltmp10:
0xb3: {  	(pc) =	sbr.rel @p0 .LBB2_22-.Ltmp10, $3  }
0xb4: {  	_ = 	snop  }
0xb5: {  	v3 =	vmul.f32 v3, v1;
	_ =	sdelay $0x1  }
0xb6: {  	s24 =	sshra.s32 s23, $0x2;
	s23 =	sadd.s32 $0x40, s23;
	v2 =	vadd.f32 v3, v2  }
0xb7: {  	v3 =	vld [tilespmem:s24+$0x5000]  }
0xb8: {  	[tilespmem:s22+$0x2000] =	vst v2  }
0xb9: {  	v2 =	vld [tilespmem:s24+$0x2000];
	_ =	sdelay $0x2  }
0xba: {  	v1 =	vmul.f32 v3, v1;
	_ =	sdelay $0x1  }
0xbb: {  	v1 =	vadd.f32 v1, v2;
	_ =	sdelay $0x1  }
0xbc: {  	[tilespmem:s24+$0x2000] =	vst v1  }
0xbd: {  	v1 =	vld [tilespmem:$0x300];
	_ =	sdelay $0x4  }
0xbe: {  	s23 =	simm.s32 $0x0;
	v1 =	vadd.s32 v0, v1  }
0xbf: {  	s22 =	simm.s32 $0x3000;
	v2 =	vadd.s32 s23, v1  }
0xc0: {  	s23 =	simm.s32 $0x40000;
	[tilespmem:s22+$0x0] =	vst v2  }
.LBB2_24:
0xc1: {  	p0 =	sne.s32 s23, $0x3FC0000  }
.Ltmp11:
0xc2: {  	_ = 	snop;
	(pc) =	sbr.rel @p0 .LBB2_24-.Ltmp11, $3  }
0xc3: {  	_ =	sdelay $0x1  }
0xc4: {  	v2 =	vadd.s32 s23, v1;
	s23 =	sadd.s32 $0x40000, s23;
	s22 =	sadd.s32 $0x10, s22  }
0xc5: {  	[tilespmem:s22+$0x0] =	vst v2  }
0xc6: {  	[tilespmem:s13], [sflag:$0x1] =	stream.indirect.gather [hbm4b:s4+s11], $0x1, s12, s11, $0xb8;
	[tilespmem:$0x7000] =	vst v63  }
0xc7: {  	_ =	swait.ge [sflag:s17], $0x1000  }
0xc8: {  	[sflag:s17] =	ssyncset.done $0x0  }
0xc9: {  	[sflag:s17] =	ssyncadd.s32 $0xFFFFF000  }
0xca: {  	s22 =	simm.s32 $0x0;
	v1 =	vld [tilespmem:$0xA80]  }
0xcb: {  	v2 =	vld [tilespmem:s22+$0x6000];
	_ =	sdelay $0x1  }
0xcc: {  	v3 =	vld [tilespmem:s22+$0x2000];
	_ =	sdelay $0x2  }
0xcd: {  	v2 =	vmul.f32 v2, v1;
	_ =	sdelay $0x1  }
0xce: {  	s24 =	simm.s32 $0x10;
	s23 =	simm.s32 $0x80;
	v2 =	vadd.f32 v2, v3  }
.LBB2_26:
0xcf: {  	p0 =	sne.s32 s23, $0x3FC0;
	v3 =	vld [tilespmem:s24+$0x6000]  }
0xd0: {  	[tilespmem:s22+$0x2000] =	vst v2;
	s22 =	smov.u32 s24  }
0xd1: {  	v2 =	vld [tilespmem:s22+$0x2000]  }
.Ltmp12:
0xd2: {  	(pc) =	sbr.rel @p0 .LBB2_26-.Ltmp12, $3  }
0xd3: {  	_ = 	snop  }
0xd4: {  	v3 =	vmul.f32 v3, v1;
	_ =	sdelay $0x1  }
0xd5: {  	s24 =	sshra.s32 s23, $0x2;
	s23 =	sadd.s32 $0x40, s23;
	v2 =	vadd.f32 v3, v2  }
0xd6: {  	v3 =	vld [tilespmem:s24+$0x6000]  }
0xd7: {  	[tilespmem:s22+$0x2000] =	vst v2  }
0xd8: {  	v2 =	vld [tilespmem:s24+$0x2000];
	_ =	sdelay $0x2  }
0xd9: {  	v1 =	vmul.f32 v3, v1;
	_ =	sdelay $0x1  }
0xda: {  	v1 =	vadd.f32 v1, v2;
	_ =	sdelay $0x1  }
0xdb: {  	[tilespmem:s24+$0x2000] =	vst v1  }
0xdc: {  	v1 =	vld [tilespmem:$0x380];
	_ =	sdelay $0x4  }
0xdd: {  	s23 =	simm.s32 $0x0;
	v1 =	vadd.s32 v0, v1  }
0xde: {  	s22 =	simm.s32 $0x4000;
	v2 =	vadd.s32 s23, v1  }
0xdf: {  	s23 =	simm.s32 $0x40000;
	[tilespmem:s22+$0x0] =	vst v2  }
.LBB2_28:
0xe0: {  	p0 =	sne.s32 s23, $0x3FC0000  }
.Ltmp13:
0xe1: {  	_ = 	snop;
	(pc) =	sbr.rel @p0 .LBB2_28-.Ltmp13, $3  }
0xe2: {  	_ =	sdelay $0x1  }
0xe3: {  	v2 =	vadd.s32 s23, v1;
	s23 =	sadd.s32 $0x40000, s23;
	s22 =	sadd.s32 $0x10, s22  }
0xe4: {  	[tilespmem:s22+$0x0] =	vst v2  }
0xe5: {  	[tilespmem:s15], [sflag:$0x2] =	stream.indirect.gather [hbm4b:s4+s11], $0x1, s14, s11, $0xb8;
	[tilespmem:$0x7000] =	vst v63  }
0xe6: {  	_ =	swait.ge [sflag:s16], $0x1000  }
0xe7: {  	[sflag:s16] =	ssyncset.done $0x0  }
0xe8: {  	[sflag:s16] =	ssyncadd.s32 $0xFFFFF000  }
0xe9: {  	s22 =	simm.s32 $0x0;
	v1 =	vld [tilespmem:$0xB00]  }
0xea: {  	v2 =	vld [tilespmem:s22+$0x5000];
	_ =	sdelay $0x1  }
0xeb: {  	v3 =	vld [tilespmem:s22+$0x2000];
	_ =	sdelay $0x2  }
0xec: {  	v2 =	vmul.f32 v2, v1;
	_ =	sdelay $0x1  }
0xed: {  	s24 =	simm.s32 $0x10;
	s23 =	simm.s32 $0x80;
	v2 =	vadd.f32 v2, v3  }
.LBB2_30:
0xee: {  	p0 =	sne.s32 s23, $0x3FC0;
	v3 =	vld [tilespmem:s24+$0x5000]  }
0xef: {  	[tilespmem:s22+$0x2000] =	vst v2;
	s22 =	smov.u32 s24  }
0xf0: {  	v2 =	vld [tilespmem:s22+$0x2000]  }
.Ltmp14:
0xf1: {  	(pc) =	sbr.rel @p0 .LBB2_30-.Ltmp14, $3  }
0xf2: {  	_ = 	snop  }
0xf3: {  	v3 =	vmul.f32 v3, v1;
	_ =	sdelay $0x1  }
0xf4: {  	s24 =	sshra.s32 s23, $0x2;
	s23 =	sadd.s32 $0x40, s23;
	v2 =	vadd.f32 v3, v2  }
0xf5: {  	v3 =	vld [tilespmem:s24+$0x5000]  }
0xf6: {  	[tilespmem:s22+$0x2000] =	vst v2  }
0xf7: {  	v2 =	vld [tilespmem:s24+$0x2000];
	_ =	sdelay $0x2  }
0xf8: {  	v1 =	vmul.f32 v3, v1;
	_ =	sdelay $0x1  }
0xf9: {  	v1 =	vadd.f32 v1, v2;
	_ =	sdelay $0x1  }
0xfa: {  	[tilespmem:s24+$0x2000] =	vst v1  }
0xfb: {  	v1 =	vld [tilespmem:$0x400];
	_ =	sdelay $0x4  }
0xfc: {  	s23 =	simm.s32 $0x0;
	v1 =	vadd.s32 v0, v1  }
0xfd: {  	s22 =	simm.s32 $0x3000;
	v2 =	vadd.s32 s23, v1  }
0xfe: {  	s23 =	simm.s32 $0x40000;
	[tilespmem:s22+$0x0] =	vst v2  }
.LBB2_32:
0xff: {  	p0 =	sne.s32 s23, $0x3FC0000  }
.Ltmp15:
0x100: {  	_ = 	snop;
	(pc) =	sbr.rel @p0 .LBB2_32-.Ltmp15, $3  }
0x101: {  	_ =	sdelay $0x1  }
0x102: {  	v2 =	vadd.s32 s23, v1;
	s23 =	sadd.s32 $0x40000, s23;
	s22 =	sadd.s32 $0x10, s22  }
0x103: {  	[tilespmem:s22+$0x0] =	vst v2  }
0x104: {  	[tilespmem:s13], [sflag:$0x1] =	stream.indirect.gather [hbm4b:s4+s11], $0x1, s12, s11, $0xb8;
	[tilespmem:$0x7000] =	vst v63  }
0x105: {  	_ =	swait.ge [sflag:s17], $0x1000  }
0x106: {  	[sflag:s17] =	ssyncset.done $0x0  }
0x107: {  	[sflag:s17] =	ssyncadd.s32 $0xFFFFF000  }
0x108: {  	s22 =	simm.s32 $0x0;
	v1 =	vld [tilespmem:$0xB80]  }
0x109: {  	v2 =	vld [tilespmem:s22+$0x6000];
	_ =	sdelay $0x1  }
0x10a: {  	v3 =	vld [tilespmem:s22+$0x2000];
	_ =	sdelay $0x2  }
0x10b: {  	v2 =	vmul.f32 v2, v1;
	_ =	sdelay $0x1  }
0x10c: {  	s24 =	simm.s32 $0x10;
	s23 =	simm.s32 $0x80;
	v2 =	vadd.f32 v2, v3  }
.LBB2_34:
0x10d: {  	p0 =	sne.s32 s23, $0x3FC0;
	v3 =	vld [tilespmem:s24+$0x6000]  }
0x10e: {  	[tilespmem:s22+$0x2000] =	vst v2;
	s22 =	smov.u32 s24  }
0x10f: {  	v2 =	vld [tilespmem:s22+$0x2000]  }
.Ltmp16:
0x110: {  	(pc) =	sbr.rel @p0 .LBB2_34-.Ltmp16, $3  }
0x111: {  	_ = 	snop  }
0x112: {  	v3 =	vmul.f32 v3, v1;
	_ =	sdelay $0x1  }
0x113: {  	s24 =	sshra.s32 s23, $0x2;
	s23 =	sadd.s32 $0x40, s23;
	v2 =	vadd.f32 v3, v2  }
0x114: {  	v3 =	vld [tilespmem:s24+$0x6000]  }
0x115: {  	[tilespmem:s22+$0x2000] =	vst v2  }
0x116: {  	v2 =	vld [tilespmem:s24+$0x2000];
	_ =	sdelay $0x2  }
0x117: {  	v1 =	vmul.f32 v3, v1;
	_ =	sdelay $0x1  }
0x118: {  	v1 =	vadd.f32 v1, v2;
	_ =	sdelay $0x1  }
0x119: {  	[tilespmem:s24+$0x2000] =	vst v1  }
0x11a: {  	v1 =	vld [tilespmem:$0x480];
	_ =	sdelay $0x4  }
0x11b: {  	s23 =	simm.s32 $0x0;
	v1 =	vadd.s32 v0, v1  }
0x11c: {  	s22 =	simm.s32 $0x4000;
	v2 =	vadd.s32 s23, v1  }
0x11d: {  	s23 =	simm.s32 $0x40000;
	[tilespmem:s22+$0x0] =	vst v2  }
.LBB2_36:
0x11e: {  	p0 =	sne.s32 s23, $0x3FC0000  }
.Ltmp17:
0x11f: {  	_ = 	snop;
	(pc) =	sbr.rel @p0 .LBB2_36-.Ltmp17, $3  }
0x120: {  	_ =	sdelay $0x1  }
0x121: {  	v2 =	vadd.s32 s23, v1;
	s23 =	sadd.s32 $0x40000, s23;
	s22 =	sadd.s32 $0x10, s22  }
0x122: {  	[tilespmem:s22+$0x0] =	vst v2  }
0x123: {  	[tilespmem:s15], [sflag:$0x2] =	stream.indirect.gather [hbm4b:s4+s11], $0x1, s14, s11, $0xb8;
	[tilespmem:$0x7000] =	vst v63  }
0x124: {  	_ =	swait.ge [sflag:s16], $0x1000  }
0x125: {  	[sflag:s16] =	ssyncset.done $0x0  }
0x126: {  	[sflag:s16] =	ssyncadd.s32 $0xFFFFF000  }
0x127: {  	s22 =	simm.s32 $0x0;
	v1 =	vld [tilespmem:$0xC00]  }
0x128: {  	v2 =	vld [tilespmem:s22+$0x5000];
	_ =	sdelay $0x1  }
0x129: {  	v3 =	vld [tilespmem:s22+$0x2000];
	_ =	sdelay $0x2  }
0x12a: {  	v2 =	vmul.f32 v2, v1;
	_ =	sdelay $0x1  }
0x12b: {  	s24 =	simm.s32 $0x10;
	s23 =	simm.s32 $0x80;
	v2 =	vadd.f32 v2, v3  }
.LBB2_38:
0x12c: {  	p0 =	sne.s32 s23, $0x3FC0;
	v3 =	vld [tilespmem:s24+$0x5000]  }
0x12d: {  	[tilespmem:s22+$0x2000] =	vst v2;
	s22 =	smov.u32 s24  }
0x12e: {  	v2 =	vld [tilespmem:s22+$0x2000]  }
.Ltmp18:
0x12f: {  	(pc) =	sbr.rel @p0 .LBB2_38-.Ltmp18, $3  }
0x130: {  	_ = 	snop  }
0x131: {  	v3 =	vmul.f32 v3, v1;
	_ =	sdelay $0x1  }
0x132: {  	s24 =	sshra.s32 s23, $0x2;
	s23 =	sadd.s32 $0x40, s23;
	v2 =	vadd.f32 v3, v2  }
0x133: {  	v3 =	vld [tilespmem:s24+$0x5000]  }
0x134: {  	[tilespmem:s22+$0x2000] =	vst v2  }
0x135: {  	v2 =	vld [tilespmem:s24+$0x2000];
	_ =	sdelay $0x2  }
0x136: {  	v1 =	vmul.f32 v3, v1;
	_ =	sdelay $0x1  }
0x137: {  	v1 =	vadd.f32 v1, v2;
	_ =	sdelay $0x1  }
0x138: {  	[tilespmem:s24+$0x2000] =	vst v1  }
0x139: {  	v1 =	vld [tilespmem:$0x500];
	_ =	sdelay $0x4  }
0x13a: {  	s23 =	simm.s32 $0x0;
	v1 =	vadd.s32 v0, v1  }
0x13b: {  	s22 =	simm.s32 $0x3000;
	v2 =	vadd.s32 s23, v1  }
0x13c: {  	s23 =	simm.s32 $0x40000;
	[tilespmem:s22+$0x0] =	vst v2  }
.LBB2_40:
0x13d: {  	p0 =	sne.s32 s23, $0x3FC0000  }
.Ltmp19:
0x13e: {  	_ = 	snop;
	(pc) =	sbr.rel @p0 .LBB2_40-.Ltmp19, $3  }
0x13f: {  	_ =	sdelay $0x1  }
0x140: {  	v2 =	vadd.s32 s23, v1;
	s23 =	sadd.s32 $0x40000, s23;
	s22 =	sadd.s32 $0x10, s22  }
0x141: {  	[tilespmem:s22+$0x0] =	vst v2  }
0x142: {  	[tilespmem:s13], [sflag:$0x1] =	stream.indirect.gather [hbm4b:s4+s11], $0x1, s12, s11, $0xb8;
	[tilespmem:$0x7000] =	vst v63  }
0x143: {  	_ =	swait.ge [sflag:s17], $0x1000  }
0x144: {  	[sflag:s17] =	ssyncset.done $0x0  }
0x145: {  	[sflag:s17] =	ssyncadd.s32 $0xFFFFF000  }
0x146: {  	s22 =	simm.s32 $0x0;
	v1 =	vld [tilespmem:$0xC80]  }
0x147: {  	v2 =	vld [tilespmem:s22+$0x6000];
	_ =	sdelay $0x1  }
0x148: {  	v3 =	vld [tilespmem:s22+$0x2000];
	_ =	sdelay $0x2  }
0x149: {  	v2 =	vmul.f32 v2, v1;
	_ =	sdelay $0x1  }
0x14a: {  	s24 =	simm.s32 $0x10;
	s23 =	simm.s32 $0x80;
	v2 =	vadd.f32 v2, v3  }
.LBB2_42:
0x14b: {  	p0 =	sne.s32 s23, $0x3FC0;
	v3 =	vld [tilespmem:s24+$0x6000]  }
0x14c: {  	[tilespmem:s22+$0x2000] =	vst v2;
	s22 =	smov.u32 s24  }
0x14d: {  	v2 =	vld [tilespmem:s22+$0x2000]  }
.Ltmp20:
0x14e: {  	(pc) =	sbr.rel @p0 .LBB2_42-.Ltmp20, $3  }
0x14f: {  	_ = 	snop  }
0x150: {  	v3 =	vmul.f32 v3, v1;
	_ =	sdelay $0x1  }
0x151: {  	s24 =	sshra.s32 s23, $0x2;
	s23 =	sadd.s32 $0x40, s23;
	v2 =	vadd.f32 v3, v2  }
0x152: {  	v3 =	vld [tilespmem:s24+$0x6000]  }
0x153: {  	[tilespmem:s22+$0x2000] =	vst v2  }
0x154: {  	v2 =	vld [tilespmem:s24+$0x2000];
	_ =	sdelay $0x2  }
0x155: {  	v1 =	vmul.f32 v3, v1;
	_ =	sdelay $0x1  }
0x156: {  	v1 =	vadd.f32 v1, v2;
	_ =	sdelay $0x1  }
0x157: {  	[tilespmem:s24+$0x2000] =	vst v1  }
0x158: {  	v1 =	vld [tilespmem:$0x580];
	_ =	sdelay $0x4  }
0x159: {  	s23 =	simm.s32 $0x0;
	v1 =	vadd.s32 v0, v1  }
0x15a: {  	s22 =	simm.s32 $0x4000;
	v2 =	vadd.s32 s23, v1  }
0x15b: {  	s23 =	simm.s32 $0x40000;
	[tilespmem:s22+$0x0] =	vst v2  }
.LBB2_44:
0x15c: {  	p0 =	sne.s32 s23, $0x3FC0000  }
.Ltmp21:
0x15d: {  	_ = 	snop;
	(pc) =	sbr.rel @p0 .LBB2_44-.Ltmp21, $3  }
0x15e: {  	_ =	sdelay $0x1  }
0x15f: {  	v2 =	vadd.s32 s23, v1;
	s23 =	sadd.s32 $0x40000, s23;
	s22 =	sadd.s32 $0x10, s22  }
0x160: {  	[tilespmem:s22+$0x0] =	vst v2  }
0x161: {  	[tilespmem:s15], [sflag:$0x2] =	stream.indirect.gather [hbm4b:s4+s11], $0x1, s14, s11, $0xb8;
	[tilespmem:$0x7000] =	vst v63  }
0x162: {  	_ =	swait.ge [sflag:s16], $0x1000  }
0x163: {  	[sflag:s16] =	ssyncset.done $0x0  }
0x164: {  	[sflag:s16] =	ssyncadd.s32 $0xFFFFF000  }
0x165: {  	s22 =	simm.s32 $0x0;
	v1 =	vld [tilespmem:$0xD00]  }
0x166: {  	v2 =	vld [tilespmem:s22+$0x5000];
	_ =	sdelay $0x1  }
0x167: {  	v3 =	vld [tilespmem:s22+$0x2000];
	_ =	sdelay $0x2  }
0x168: {  	v2 =	vmul.f32 v2, v1;
	_ =	sdelay $0x1  }
0x169: {  	s24 =	simm.s32 $0x10;
	s23 =	simm.s32 $0x80;
	v2 =	vadd.f32 v2, v3  }
.LBB2_46:
0x16a: {  	p0 =	sne.s32 s23, $0x3FC0;
	v3 =	vld [tilespmem:s24+$0x5000]  }
0x16b: {  	[tilespmem:s22+$0x2000] =	vst v2;
	s22 =	smov.u32 s24  }
0x16c: {  	v2 =	vld [tilespmem:s22+$0x2000]  }
.Ltmp22:
0x16d: {  	(pc) =	sbr.rel @p0 .LBB2_46-.Ltmp22, $3  }
0x16e: {  	_ = 	snop  }
0x16f: {  	v3 =	vmul.f32 v3, v1;
	_ =	sdelay $0x1  }
0x170: {  	s24 =	sshra.s32 s23, $0x2;
	s23 =	sadd.s32 $0x40, s23;
	v2 =	vadd.f32 v3, v2  }
0x171: {  	v3 =	vld [tilespmem:s24+$0x5000]  }
0x172: {  	[tilespmem:s22+$0x2000] =	vst v2  }
0x173: {  	v2 =	vld [tilespmem:s24+$0x2000];
	_ =	sdelay $0x2  }
0x174: {  	v1 =	vmul.f32 v3, v1;
	_ =	sdelay $0x1  }
0x175: {  	v1 =	vadd.f32 v1, v2;
	_ =	sdelay $0x1  }
0x176: {  	[tilespmem:s24+$0x2000] =	vst v1  }
0x177: {  	v1 =	vld [tilespmem:$0x600];
	_ =	sdelay $0x4  }
0x178: {  	s23 =	simm.s32 $0x0;
	v1 =	vadd.s32 v0, v1  }
0x179: {  	s22 =	simm.s32 $0x3000;
	v2 =	vadd.s32 s23, v1  }
0x17a: {  	s23 =	simm.s32 $0x40000;
	[tilespmem:s22+$0x0] =	vst v2  }
.LBB2_48:
0x17b: {  	p0 =	sne.s32 s23, $0x3FC0000  }
.Ltmp23:
0x17c: {  	_ = 	snop;
	(pc) =	sbr.rel @p0 .LBB2_48-.Ltmp23, $3  }
0x17d: {  	_ =	sdelay $0x1  }
0x17e: {  	v2 =	vadd.s32 s23, v1;
	s23 =	sadd.s32 $0x40000, s23;
	s22 =	sadd.s32 $0x10, s22  }
0x17f: {  	[tilespmem:s22+$0x0] =	vst v2  }
0x180: {  	[tilespmem:s13], [sflag:$0x1] =	stream.indirect.gather [hbm4b:s4+s11], $0x1, s12, s11, $0xb8;
	[tilespmem:$0x7000] =	vst v63  }
0x181: {  	_ =	swait.ge [sflag:s17], $0x1000  }
0x182: {  	[sflag:s17] =	ssyncset.done $0x0  }
0x183: {  	[sflag:s17] =	ssyncadd.s32 $0xFFFFF000  }
0x184: {  	s22 =	simm.s32 $0x0;
	v1 =	vld [tilespmem:$0xD80]  }
0x185: {  	v2 =	vld [tilespmem:s22+$0x6000];
	_ =	sdelay $0x1  }
0x186: {  	v3 =	vld [tilespmem:s22+$0x2000];
	_ =	sdelay $0x2  }
0x187: {  	v2 =	vmul.f32 v2, v1;
	_ =	sdelay $0x1  }
0x188: {  	s24 =	simm.s32 $0x10;
	s23 =	simm.s32 $0x80;
	v2 =	vadd.f32 v2, v3  }
.LBB2_50:
0x189: {  	p0 =	sne.s32 s23, $0x3FC0;
	v3 =	vld [tilespmem:s24+$0x6000]  }
0x18a: {  	[tilespmem:s22+$0x2000] =	vst v2;
	s22 =	smov.u32 s24  }
0x18b: {  	v2 =	vld [tilespmem:s22+$0x2000]  }
.Ltmp24:
0x18c: {  	(pc) =	sbr.rel @p0 .LBB2_50-.Ltmp24, $3  }
0x18d: {  	_ = 	snop  }
0x18e: {  	v3 =	vmul.f32 v3, v1;
	_ =	sdelay $0x1  }
0x18f: {  	s24 =	sshra.s32 s23, $0x2;
	s23 =	sadd.s32 $0x40, s23;
	v2 =	vadd.f32 v3, v2  }
0x190: {  	v3 =	vld [tilespmem:s24+$0x6000]  }
0x191: {  	[tilespmem:s22+$0x2000] =	vst v2  }
0x192: {  	v2 =	vld [tilespmem:s24+$0x2000];
	_ =	sdelay $0x2  }
0x193: {  	v1 =	vmul.f32 v3, v1;
	_ =	sdelay $0x1  }
0x194: {  	v1 =	vadd.f32 v1, v2;
	_ =	sdelay $0x1  }
0x195: {  	[tilespmem:s24+$0x2000] =	vst v1  }
0x196: {  	v1 =	vld [tilespmem:$0x680];
	_ =	sdelay $0x4  }
0x197: {  	s23 =	simm.s32 $0x0;
	v1 =	vadd.s32 v0, v1  }
0x198: {  	s22 =	simm.s32 $0x4000;
	v2 =	vadd.s32 s23, v1  }
0x199: {  	s23 =	simm.s32 $0x40000;
	[tilespmem:s22+$0x0] =	vst v2  }
.LBB2_52:
0x19a: {  	p0 =	sne.s32 s23, $0x3FC0000  }
.Ltmp25:
0x19b: {  	_ = 	snop;
	(pc) =	sbr.rel @p0 .LBB2_52-.Ltmp25, $3  }
0x19c: {  	_ =	sdelay $0x1  }
0x19d: {  	v2 =	vadd.s32 s23, v1;
	s23 =	sadd.s32 $0x40000, s23;
	s22 =	sadd.s32 $0x10, s22  }
0x19e: {  	[tilespmem:s22+$0x0] =	vst v2  }
0x19f: {  	[tilespmem:s15], [sflag:$0x2] =	stream.indirect.gather [hbm4b:s4+s11], $0x1, s14, s11, $0xb8;
	[tilespmem:$0x7000] =	vst v63  }
0x1a0: {  	_ =	swait.ge [sflag:s16], $0x1000  }
0x1a1: {  	[sflag:s16] =	ssyncset.done $0x0  }
0x1a2: {  	[sflag:s16] =	ssyncadd.s32 $0xFFFFF000  }
0x1a3: {  	s22 =	simm.s32 $0x0;
	v1 =	vld [tilespmem:$0xE00]  }
0x1a4: {  	v2 =	vld [tilespmem:s22+$0x5000];
	_ =	sdelay $0x1  }
0x1a5: {  	v3 =	vld [tilespmem:s22+$0x2000];
	_ =	sdelay $0x2  }
0x1a6: {  	v2 =	vmul.f32 v2, v1;
	_ =	sdelay $0x1  }
0x1a7: {  	s24 =	simm.s32 $0x10;
	s23 =	simm.s32 $0x80;
	v2 =	vadd.f32 v2, v3  }
.LBB2_54:
0x1a8: {  	p0 =	sne.s32 s23, $0x3FC0;
	v3 =	vld [tilespmem:s24+$0x5000]  }
0x1a9: {  	[tilespmem:s22+$0x2000] =	vst v2;
	s22 =	smov.u32 s24  }
0x1aa: {  	v2 =	vld [tilespmem:s22+$0x2000]  }
.Ltmp26:
0x1ab: {  	(pc) =	sbr.rel @p0 .LBB2_54-.Ltmp26, $3  }
0x1ac: {  	_ = 	snop  }
0x1ad: {  	v3 =	vmul.f32 v3, v1;
	_ =	sdelay $0x1  }
0x1ae: {  	s24 =	sshra.s32 s23, $0x2;
	s23 =	sadd.s32 $0x40, s23;
	v2 =	vadd.f32 v3, v2  }
0x1af: {  	v3 =	vld [tilespmem:s24+$0x5000]  }
0x1b0: {  	[tilespmem:s22+$0x2000] =	vst v2  }
0x1b1: {  	v2 =	vld [tilespmem:s24+$0x2000];
	_ =	sdelay $0x2  }
0x1b2: {  	v1 =	vmul.f32 v3, v1;
	_ =	sdelay $0x1  }
0x1b3: {  	v1 =	vadd.f32 v1, v2;
	_ =	sdelay $0x1  }
0x1b4: {  	[tilespmem:s24+$0x2000] =	vst v1  }
0x1b5: {  	v1 =	vld [tilespmem:$0x700];
	_ =	sdelay $0x4  }
0x1b6: {  	s23 =	simm.s32 $0x0;
	v1 =	vadd.s32 v0, v1  }
0x1b7: {  	s22 =	simm.s32 $0x3000;
	v2 =	vadd.s32 s23, v1  }
0x1b8: {  	s23 =	simm.s32 $0x40000;
	[tilespmem:s22+$0x0] =	vst v2  }
.LBB2_56:
0x1b9: {  	p0 =	sne.s32 s23, $0x3FC0000  }
.Ltmp27:
0x1ba: {  	_ = 	snop;
	(pc) =	sbr.rel @p0 .LBB2_56-.Ltmp27, $3  }
0x1bb: {  	_ =	sdelay $0x1  }
0x1bc: {  	v2 =	vadd.s32 s23, v1;
	s23 =	sadd.s32 $0x40000, s23;
	s22 =	sadd.s32 $0x10, s22  }
0x1bd: {  	[tilespmem:s22+$0x0] =	vst v2  }
0x1be: {  	[tilespmem:s13], [sflag:$0x1] =	stream.indirect.gather [hbm4b:s4+s11], $0x1, s12, s11, $0xb8;
	[tilespmem:$0x7000] =	vst v63  }
0x1bf: {  	_ =	swait.ge [sflag:s17], $0x1000  }
0x1c0: {  	[sflag:s17] =	ssyncset.done $0x0  }
0x1c1: {  	[sflag:s17] =	ssyncadd.s32 $0xFFFFF000  }
0x1c2: {  	s22 =	simm.s32 $0x0;
	v1 =	vld [tilespmem:$0xE80]  }
0x1c3: {  	v2 =	vld [tilespmem:s22+$0x6000];
	_ =	sdelay $0x1  }
0x1c4: {  	v3 =	vld [tilespmem:s22+$0x2000];
	_ =	sdelay $0x2  }
0x1c5: {  	v2 =	vmul.f32 v2, v1;
	_ =	sdelay $0x1  }
0x1c6: {  	s24 =	simm.s32 $0x10;
	s23 =	simm.s32 $0x80;
	v2 =	vadd.f32 v2, v3  }
.LBB2_58:
0x1c7: {  	p0 =	sne.s32 s23, $0x3FC0;
	v3 =	vld [tilespmem:s24+$0x6000]  }
0x1c8: {  	[tilespmem:s22+$0x2000] =	vst v2;
	s22 =	smov.u32 s24  }
0x1c9: {  	v2 =	vld [tilespmem:s22+$0x2000]  }
.Ltmp28:
0x1ca: {  	(pc) =	sbr.rel @p0 .LBB2_58-.Ltmp28, $3  }
0x1cb: {  	_ = 	snop  }
0x1cc: {  	v3 =	vmul.f32 v3, v1;
	_ =	sdelay $0x1  }
0x1cd: {  	s24 =	sshra.s32 s23, $0x2;
	s23 =	sadd.s32 $0x40, s23;
	v2 =	vadd.f32 v3, v2  }
0x1ce: {  	v3 =	vld [tilespmem:s24+$0x6000]  }
0x1cf: {  	[tilespmem:s22+$0x2000] =	vst v2  }
0x1d0: {  	v2 =	vld [tilespmem:s24+$0x2000];
	_ =	sdelay $0x2  }
0x1d1: {  	v1 =	vmul.f32 v3, v1;
	_ =	sdelay $0x1  }
0x1d2: {  	v1 =	vadd.f32 v1, v2;
	_ =	sdelay $0x1  }
0x1d3: {  	[tilespmem:s24+$0x2000] =	vst v1  }
0x1d4: {  	v1 =	vld [tilespmem:$0x780];
	_ =	sdelay $0x4  }
0x1d5: {  	s23 =	simm.s32 $0x0;
	v1 =	vadd.s32 v0, v1  }
0x1d6: {  	s22 =	simm.s32 $0x4000;
	v2 =	vadd.s32 s23, v1  }
0x1d7: {  	s23 =	simm.s32 $0x40000;
	[tilespmem:s22+$0x0] =	vst v2  }
.LBB2_60:
0x1d8: {  	p0 =	sne.s32 s23, $0x3FC0000  }
.Ltmp29:
0x1d9: {  	_ = 	snop;
	(pc) =	sbr.rel @p0 .LBB2_60-.Ltmp29, $3  }
0x1da: {  	_ =	sdelay $0x1  }
0x1db: {  	v2 =	vadd.s32 s23, v1;
	s23 =	sadd.s32 $0x40000, s23;
	s22 =	sadd.s32 $0x10, s22  }
0x1dc: {  	[tilespmem:s22+$0x0] =	vst v2  }
0x1dd: {  	[tilespmem:s15], [sflag:$0x2] =	stream.indirect.gather [hbm4b:s4+s11], $0x1, s14, s11, $0xb8;
	[tilespmem:$0x7000] =	vst v63  }
0x1de: {  	_ =	swait.ge [sflag:s16], $0x1000  }
0x1df: {  	[sflag:s16] =	ssyncset.done $0x0  }
0x1e0: {  	[sflag:s16] =	ssyncadd.s32 $0xFFFFF000  }
0x1e1: {  	s22 =	simm.s32 $0x0;
	v1 =	vld [tilespmem:$0xF00]  }
0x1e2: {  	v2 =	vld [tilespmem:s22+$0x5000];
	_ =	sdelay $0x1  }
0x1e3: {  	v3 =	vld [tilespmem:s22+$0x2000];
	_ =	sdelay $0x2  }
0x1e4: {  	v2 =	vmul.f32 v2, v1;
	_ =	sdelay $0x1  }
0x1e5: {  	s24 =	simm.s32 $0x10;
	s23 =	simm.s32 $0x80;
	v2 =	vadd.f32 v2, v3  }
.LBB2_62:
0x1e6: {  	p0 =	sne.s32 s23, $0x3FC0;
	v3 =	vld [tilespmem:s24+$0x5000]  }
0x1e7: {  	[tilespmem:s22+$0x2000] =	vst v2;
	s22 =	smov.u32 s24  }
0x1e8: {  	v2 =	vld [tilespmem:s22+$0x2000]  }
.Ltmp30:
0x1e9: {  	(pc) =	sbr.rel @p0 .LBB2_62-.Ltmp30, $3  }
0x1ea: {  	_ = 	snop  }
0x1eb: {  	v3 =	vmul.f32 v3, v1;
	_ =	sdelay $0x1  }
0x1ec: {  	s24 =	sshra.s32 s23, $0x2;
	s23 =	sadd.s32 $0x40, s23;
	v2 =	vadd.f32 v3, v2  }
0x1ed: {  	v3 =	vld [tilespmem:s24+$0x5000]  }
0x1ee: {  	[tilespmem:s22+$0x2000] =	vst v2  }
0x1ef: {  	v2 =	vld [tilespmem:s24+$0x2000];
	_ =	sdelay $0x2  }
0x1f0: {  	v1 =	vmul.f32 v3, v1;
	_ =	sdelay $0x1  }
0x1f1: {  	v1 =	vadd.f32 v1, v2;
	_ =	sdelay $0x1  }
0x1f2: {  	[tilespmem:s24+$0x2000] =	vst v1  }
0x1f3: {  	_ =	swait.ge [sflag:s17], $0x1000  }
0x1f4: {  	[sflag:s17] =	ssyncset.done $0x0  }
0x1f5: {  	[sflag:s17] =	ssyncadd.s32 $0xFFFFF000  }
0x1f6: {  	s22 =	simm.s32 $0x0;
	v1 =	vld [tilespmem:$0xF80]  }
0x1f7: {  	v2 =	vld [tilespmem:s22+$0x6000];
	_ =	sdelay $0x1  }
0x1f8: {  	v3 =	vld [tilespmem:s22+$0x2000];
	_ =	sdelay $0x2  }
0x1f9: {  	v2 =	vmul.f32 v2, v1;
	_ =	sdelay $0x1  }
0x1fa: {  	s23 =	simm.s32 $0x80;
	s24 =	simm.s32 $0x10;
	v2 =	vadd.f32 v2, v3  }
.LBB2_64:
0x1fb: {  	p0 =	sne.s32 s23, $0x3FC0;
	v3 =	vld [tilespmem:s24+$0x6000]  }
0x1fc: {  	[tilespmem:s22+$0x2000] =	vst v2;
	s22 =	smov.u32 s24  }
0x1fd: {  	v2 =	vld [tilespmem:s22+$0x2000]  }
.Ltmp31:
0x1fe: {  	(pc) =	sbr.rel @p0 .LBB2_64-.Ltmp31, $3  }
0x1ff: {  	_ = 	snop  }
0x200: {  	v3 =	vmul.f32 v3, v1;
	_ =	sdelay $0x1  }
0x201: {  	s24 =	sshra.s32 s23, $0x2;
	s23 =	sadd.s32 $0x40, s23;
	v2 =	vadd.f32 v3, v2  }
0x202: {  	v3 =	vld [tilespmem:s24+$0x6000]  }
0x203: {  	[tilespmem:s22+$0x2000] =	vst v2  }
0x204: {  	v2 =	vld [tilespmem:s24+$0x2000];
	_ =	sdelay $0x2  }
0x205: {  	v1 =	vmul.f32 v3, v1;
	_ =	sdelay $0x1  }
0x206: {  	s21 =	sadd.s32 $0x1, s21;
	v1 =	vadd.f32 v1, v2  }
0x207: {  	p0 =	sne.s32 s21, s8  }
.Ltmp32:
0x208: {  	[tilespmem:s24+$0x2000] =	vst v1;
	(pc) =	sbr.rel @p0 .LBB2_1-.Ltmp32, $4  }
0x209: {  	[hbm4b:s7+s18] =	stream.strided.scatter [tilespmem:s20], [sflag:$0x3], $0x1000, s19, s18, $0x38;
	[tilespmem:$0x7000] =	vst v63  }
0x20a: {  	_ =	swait.ge [sflag:s9], $0x1000  }
0x20b: {  	[sflag:s9] =	ssyncset.done $0x0  }
0x20c: {  	[sflag:s9] =	ssyncadd.s32 $0xFFFFF000  }
0x20d: {  	_ =	sfence.sel $0x180000  }
0x20e: {  	[bflag:$0x0] =	sbarrier.arrive $0xFFFF  }
0x20f: {  	p0 =	sne.s32 s2, $0x0;
	_ =	strace $0x9000004A  }
0x210: {  	s0 =	sadd.s32 @!p0 $0x100000, s0;
	[bflag:$0x2] =	sbarrier.arrive $0xFFFF  }
0x211: {  	[sflag:s0] =	ssyncadd.tile.s32 @!p0 $0x1;
	_ =	shalt  }
.Lfunc_end2:
_tile_overlayer_lowered:
.L_overlay_start_2:
0x212: {  	(tag) =	ssettag $0x2  }
0x213: {  	s0 =	rddreg [dreg:$0x0];
	s2 =	stileid.u32  }
0x214: {  	s1 =	rddreg [dreg:$0x1];
	p0 =	sne.s32 s2, $0x0  }
0x215: {  	s3 =	rddreg [dreg:$0x2];
	[bflag:$0x3] =	sbarrier.arrive $0xFFFF;
	s2 =	simm.s32 @!p0 $0x1C03  }
0x216: {  	[timem:s3], [sflag:s2] =	dma.local @!p0 [hbm:s0], s1  }
0x217: {  	s0 =	simm.s32 @!p0 $0x3  }
0x218: {  	_ =	swait.ge @!p0 [sflag:s0], s1  }
0x219: {  	s1 =	ssub.s32 @!p0 $0x0, s1;
	[sflag:s0] =	ssyncset.done @!p0 $0x0  }
0x21a: {  	[sflag:s0] =	ssyncadd.s32 @!p0 s1  }
0x21b: {  	[bflag:$0x3] =	sbarrier.arrive $0xFFFF  }
0x21c: {  	_ =	shalt  }

// kernel: sparse-core-data-format-call.cloned.1.call-start
scs
called_computation_lowered:
.L_overlay_start_0:
0x0: {  	s2 =	sld [smem:$0x3FD9]  }
0x1: {  	s3 =	sld [smem:$0x3FFE];
	_ =	sdelay $0x1  }
0x2: {  	s1 =	srdreg.scid  }
0x3: {  	s0 =	sand.u32 $0x1, s1  }
0x4: {  	s18 =	sshll.u32 s0, $0xA;
	s2 =	sadd.s32 s3, s2  }
0x5: {  	s2 =	sadd.s32 s2, s18  }
0x6: {  	[smem:$0x3FC3] =	sst s2  }
0x7: {  	_ = 	snop  }
0x8: {  	s2 =	sld [smem:$0x3FC6];
	(tm) =	ssettm $0x1  }
0x9: {  	s19 =	sld [smem:$0x3FFB];
	_ =	sdelay $0x3  }
0xa: {  	_ =	strace s19  }
0xb: {  	s3 =	sld [smem:$0x3FFC];
	_ =	sdelay $0x3  }
0xc: {  	_ =	strace s3  }
0xd: {  	s3 =	sld [smem:$0x3FFD];
	_ =	sdelay $0x3  }
0xe: {  	_ =	strace s3  }
0xf: {  	_ =	strace $0x8FFFFFFF  }
0x10: {  	s20 =	sld [smem:$0x3FDB];
	_ =	sdelay $0x1  }
0x11: {  	s4 =	simm.s32 $_scs_section_size  }
0x12: {  	s5 =	simm.s32 $_size__tile_overlayer_lowered;
	s6 =	simm.s32 $_tile_overlayer_lowered  }
0x13: {  	s23 =	simm.s32 $0x1BFF;
	s22 =	sshll.u32 s6, $0x1;
	s3 =	sadd.s32 s4, s20  }
0x14: {  	s7 =	simm.s32 $0x0;
	s21 =	sshll.u32 s5, $0x1;
	s5 =	sadd.s32 s22, s3  }
0x15: {  	[timem:s7], [sflag:s23] =	dma.local [hbm:s5], s21  }
0x16: {  	_ =	swait.ge [sflag:s23], s21  }
0x17: {  	s4 =	ssub.s32 $0x0, s21;
	[sflag:s23] =	ssyncset.done $0x0  }
0x18: {  	[sflag:s23] =	ssyncadd.s32 s4;
	_ =	sdelay $0x1  }
0x19: {  	s24 =	simm.s32 $0x1B8B  }
0x1a: {  	_ =	swait.ge [sflag:s24], $0x1  }
0x1b: {  	[sflag:s24] =	ssyncset.done $0x0  }
0x1c: {  	s26 =	simm.s32 $0x1B8E;
	s25 =	sld [smem:$0x3FFE];
	[sflag:s24] =	ssyncadd.s32 $0xFFFFFFFF  }
0x1d: {  	s27 =	simm.s32 $execute0_lowered;
	[smem:$0x3FD2] =	sst s26  }
0x1e: {  	s5 =	sshll.u32 s27, $0x1;
	_ =	strace $0x80000046;
	[dreg:$0x1] =	wrdreg $0xFFFFFFFF  }
0x1f: {  	s28 =	simm.s32 $_size_execute0_lowered;
	s3 =	sadd.s32 s3, s5;
	[dreg:$0x0] =	wrdreg $0x0  }
0x20: {  	s5 =	sshll.u32 s28, $0x1;
	[dreg:$0x2] =	wrdreg s3  }
0x21: {  	[dreg:$0x3] =	wrdreg s5  }
0x22: {  	[dreg:$0x4] =	wrdreg $0xC0  }
0x23: {  	_ =	task [dreg:s7], $0x5FFFF  }
0x24: {  	[dreg:$0x1] =	wrdreg $0xFFFFFFFF  }
0x25: {  	[dreg:$0x0] =	wrdreg $0x60  }
0x26: {  	[dreg:$0x2] =	wrdreg s2  }
0x27: {  	[dreg:$0x3] =	wrdreg s25  }
0x28: {  	[dreg:$0x4] =	wrdreg $0x9  }
0x29: {  	_ =	task.clear_ibuf [dreg:s7], $0x5FFFF;
	_ =	strace $0x90000046  }
0x2a: {  	s29 =	simm.s32 $0x9;
	_ =	strace $0x80000048  }
0x2b: {  	_ =	swait.ge [sflag:s29], $0x1  }
0x2c: {  	[sflag:s29] =	ssyncadd.s32 $0xFFFFFFFF  }
0x2d: {  	_ =	strace $0x90000048  }
0x2e: {  	_ =	sfence  }
0x2f: {  	s30 =	sld [smem:$0x0];
	_ =	sdelay $0x2  }
0x30: {  	s31 =	sshll.u32 s1, $0xD;
	s1 =	sshrl.u32 s1, $0x2  }
0x31: {  	s3 =	sand.u32 $0x4000, s31;
	s1 =	sadd.s32 s1, s30  }
0x32: {  	s0 =	sor.u32 s3, s0;
	s1 =	sshll.u32 s1, $0x11  }
0x33: {  	s0 =	sor.u32 s1, s0  }
0x34: {  	s0 =	sadd.s32 $0x8F2B, s0  }
0x35: {  	[sflag:s0] =	ssyncadd.remote.s32 $0x1  }
0x36: {  	_ =	sfence.sel $0xFFFF  }
0x37: {  	[dreg:$0x0] =	wrdreg $0xFFFFFFFF;
	(pc) =	sbr.abs _section_cstart, $3  }
0x38: {  	[dreg:$0x1] =	wrdreg $0xFFFFFFFF  }
0x39: {  	_ =	task.clear_ibuf [dreg:s7], $0x2FFFF;
	_ =	strace $0x9FFFFFFF  }
0x3a: {  	(tm) =	ssettm $0x7FFFFFFF  }
0x3b: {  	_ =	shalt  }
tec
execute0_lowered:
.L_overlay_start_1:
0x0: {  	(tag) =	ssettag $0x1  }
0x1: {  	s2 =	rddreg [dreg:$0x0]  }
0x2: {  	s1 =	rddreg [dreg:$0x1]  }
0x3: {  	s0 =	rddreg [dreg:$0x2];
	_ =	strace $0x80000047;
	s4 =	srdreg.scid  }
0x4: {  	s6 =	simm.s32 $0x2;
	s11 =	simm.s32 $0x0;
	p0 =	por $0x0, $0x0  }
.Ltmp0:
0x5: {  	s7 =	simm.s32 $0x4000;
	s12 =	simm.s32 $0x0;
	(pc) =	sbr.rel .LBB1_1-.Ltmp0, $4  }
0x6: {  	s9 =	simm.s32 $0x0;
	s3 =	sadd.s32 $0x1200, s1;
	s5 =	sshll.u32 s4, $0x4  }
0x7: {  	s1 =	stileid.u32;
	s4 =	simm.s32 $0x1;
	s5 =	sand.u32 $0x10, s5  }
0x8: {  	s8 =	simm.s32 $0x0;
	[sflag:s4] =	ssyncpa.u1 $0x0;
	s5 =	sor.u32 s1, s5  }
0x9: {  	[sflag:s6] =	ssyncpa.u1 $0x0;
	s6 =	simm.s32 $0x800;
	s10 =	smov.u32 s5  }
.LBB1_7:
0xa: {  	s13 =	sadd.s32 $0x10, s9  }
0xb: {  	s11 =	sadd.s32 $0x20, s10;
	s15 =	smov.u32 s10;
	p2 =	sgt.s32 s13, $0x7F  }
0xc: {  	p1 =	slt.u32 s8, $0x2;
	s15 =	smov.u32 @p2 s11  }
0xd: {  	s8 =	sadd.s32 $0x1, s8;
	s13 =	simm.s32 @p2 $0x0;
	p2 =	sgt.s32 s15, $0x1FF  }
0xe: {  	s15 =	smov.u32 @p2 s5;
	p2 =	sne.s32 s8, $0x82  }
.Ltmp1:
0xf: {  	_ = 	snop;
	(pc) =	sbr.rel @!p2 .LBB1_8-.Ltmp1, $4  }
0x10: {  	s14 =	simm.s32 @!p1 $0x2  }
0x11: {  	s12 =	smov.u32 s10;
	_ =	swait.ge @!p1 [sflag:s14], $0x4000  }
0x12: {  	p0 =	por !p0, !p0;
	s11 =	smov.u32 s9;
	[sflag:s14] =	ssyncset.done @!p1 $0x0  }
0x13: {  	s9 =	smov.u32 s13;
	[sflag:s14] =	ssyncadd.s32 @!p1 $0xFFFFC000;
	s10 =	smov.u32 s15  }
.LBB1_1:
0x14: {  	p1 =	sgt.u32 s8, $0x7F  }
0x15: {  	s13 =	sxor.u32 @!p1 $0xFFFFFFFF, s8;
	s14 =	sshll.u32 @!p1 s10, $0xE  }
0x16: {  	s15 =	sshll.u32 @!p1 s9, $0x7;
	s13 =	sshll.u32 @!p1 s13, $0xE;
	s14 =	sadd.s32 @!p1 s2, s14  }
0x17: {  	s13 =	sand.u32 @!p1 $0x4000, s13;
	s14 =	sadd.s32 @!p1 s15, s14;
	s15 =	simm.s32 @!p1 $0x0  }
0x18: {  	[tilespmem:s13], [sflag:$0x1] =	stream.linear.gather @!p1 [hbm4b:s14+s15], $0x4000, $0x38;
	[tilespmem:$0x10000] =	vst v63  }
0x19: {  	p1 =	seq.s32 s8, $0x0  }
0x1a: {  	p2 =	seq.s32 @!p1 s8, $0x81  }
0x1b: {  	p1 =	por p1, p2  }
.Ltmp2:
0x1c: {  	_ = 	snop;
	(pc) =	sbr.rel @p1 .LBB1_7-.Ltmp2, $1  }
0x1d: {  	_ =	sdelay $0x3  }
0x1e: {  	s13 =	simm.s32 $0x1;
	_ =	swait.ge [sflag:s4], $0x4000;
	s16 =	sshll.u32 s8, $0xE  }
0x1f: {  	s13 =	simm.s32 @!p0 $0x0;
	[sflag:s4] =	ssyncset.done $0x0;
	s31 =	sand.u32 $0x4000, s16  }
0x20: {  	s16 =	simm.s32 $0x0;
	s14 =	sshll.u32 s13, $0xE;
	[sflag:s4] =	ssyncadd.s32 $0xFFFFC000  }
0x21: {  	s13 =	sor.u32 $0x8040, s14;
	s15 =	sor.u32 $0x40, s14;
	s14 =	sor.u32 $0x8000, s31  }
.LBB1_3:
0x22: {  	v0 =	vmov s15;
	_ =	sdelay $0x3  }
0x23: {  	s18 =	simm.s32 $0x0  }
0x24: {  	v6 =	vld.idx.msk [tilespmem:v0+s18+$0x30 ss:$0x1], $0xffff  }
0x25: {  	v7 =	vld.idx.msk [tilespmem:v0+s18+$0xFFFFFFC0 ss:$0x1], $0xffff  }
0x26: {  	v5 =	vld.idx.msk [tilespmem:v0+s18+$0xFFFFFFD0 ss:$0x1], $0xffff  }
0x27: {  	v4 =	vld.idx.msk [tilespmem:v0+s18+$0xFFFFFFE0 ss:$0x1], $0xffff  }
0x28: {  	v3 =	vld.idx.msk [tilespmem:v0+s18+$0xFFFFFFF0 ss:$0x1], $0xffff  }
0x29: {  	v1 =	vld.idx.msk [tilespmem:v0+s18+$0x0 ss:$0x1], $0xffff  }
0x2a: {  	v2 =	vld.idx.msk [tilespmem:v0+s18+$0x10 ss:$0x1], $0xffff;
	[tilespmem:s13+$0x30] =	vst v6  }
0x2b: {  	s17 =	simm.s32 $0x80;
	s19 =	simm.s32 $0x400;
	[tilespmem:s13+$0xFFFFFFC0] =	vst v7;
	v6 =	vld.idx.msk [tilespmem:v0+s18+$0x20 ss:$0x1], $0xffff;
	s18 =	smov.u32 s13  }
.LBB1_4:
0x2c: {  	p1 =	sne.s32 s19, $0xE00;
	v7 =	vld.idx.msk [tilespmem:v0+s17+$0x30 ss:$0x1], $0xffff;
	[tilespmem:s18+$0xFFFFFFD0] =	vst v5  }
0x2d: {  	v8 =	vld.idx.msk [tilespmem:v0+s17+$0xFFFFFFC0 ss:$0x1], $0xffff;
	[tilespmem:s18+$0xFFFFFFE0] =	vst v4  }
0x2e: {  	v5 =	vld.idx.msk [tilespmem:v0+s17+$0xFFFFFFD0 ss:$0x1], $0xffff;
	[tilespmem:s18+$0xFFFFFFF0] =	vst v3  }
.Ltmp3:
0x2f: {  	v4 =	vld.idx.msk [tilespmem:v0+s17+$0xFFFFFFE0 ss:$0x1], $0xffff;
	[tilespmem:s18+$0x0] =	vst v1;
	(pc) =	sbr.rel @p1 .LBB1_4-.Ltmp3, $4  }
0x30: {  	v3 =	vld.idx.msk [tilespmem:v0+s17+$0xFFFFFFF0 ss:$0x1], $0xffff;
	[tilespmem:s18+$0x10] =	vst v2  }
0x31: {  	v1 =	vld.idx.msk [tilespmem:v0+s17+$0x0 ss:$0x1], $0xffff;
	[tilespmem:s18+$0x20] =	vst v6;
	s18 =	sadd.s32 $0x800, s18  }
0x32: {  	v2 =	vld.idx.msk [tilespmem:v0+s17+$0x10 ss:$0x1], $0xffff;
	[tilespmem:s18+$0x30] =	vst v7  }
0x33: {  	[tilespmem:s18+$0xFFFFFFC0] =	vst v8;
	v6 =	vld.idx.msk [tilespmem:v0+s17+$0x20 ss:$0x1], $0xffff;
	s17 =	sshra.s32 s19, $0x2;
	s19 =	sadd.s32 $0x200, s19  }
0x34: {  	_ =	sdelay $0x2  }
0x35: {  	[tilespmem:s18+$0xFFFFFFD0] =	vst v5  }
0x36: {  	v56 =	vld.idx.msk [tilespmem:v0+s17+$0x30 ss:$0x1], $0xffff;
	[tilespmem:s18+$0xFFFFFFE0] =	vst v4  }
0x37: {  	v57 =	vld.idx.msk [tilespmem:v0+s17+$0xFFFFFFC0 ss:$0x1], $0xffff;
	[tilespmem:s18+$0xFFFFFFF0] =	vst v3  }
0x38: {  	v58 =	vld.idx.msk [tilespmem:v0+s17+$0xFFFFFFD0 ss:$0x1], $0xffff;
	[tilespmem:s18+$0x0] =	vst v1  }
0x39: {  	v59 =	vld.idx.msk [tilespmem:v0+s17+$0xFFFFFFE0 ss:$0x1], $0xffff;
	[tilespmem:s18+$0x10] =	vst v2  }
0x3a: {  	v60 =	vld.idx.msk [tilespmem:v0+s17+$0xFFFFFFF0 ss:$0x1], $0xffff;
	s31 =	sadd.s32 $0x800, s18;
	[tilespmem:s18+$0x20] =	vst v6  }
0x3b: {  	v61 =	vld.idx.msk [tilespmem:v0+s17+$0x0 ss:$0x1], $0xffff;
	[tilespmem:s31+$0x30] =	vst v56  }
0x3c: {  	v62 =	vld.idx.msk [tilespmem:v0+s17+$0x10 ss:$0x1], $0xffff;
	s16 =	sadd.s32 $0x1, s16;
	[tilespmem:s31+$0xFFFFFFC0] =	vst v57  }
0x3d: {  	v63 =	vld.idx.msk [tilespmem:v0+s17+$0x20 ss:$0x1], $0xffff;
	p1 =	sne.s32 s16, $0x10;
	[tilespmem:s31+$0xFFFFFFD0] =	vst v58  }
.Ltmp4:
0x3e: {  	[tilespmem:s31+$0xFFFFFFE0] =	vst v59;
	(pc) =	sbr.rel @p1 .LBB1_3-.Ltmp4, $4  }
0x3f: {  	[tilespmem:s31+$0xFFFFFFF0] =	vst v60  }
0x40: {  	[tilespmem:s31+$0x0] =	vst v61  }
0x41: {  	[tilespmem:s31+$0x10] =	vst v62  }
0x42: {  	s13 =	sadd.s32 $0x80, s13;
	s15 =	sadd.s32 $0x400, s15;
	[tilespmem:s31+$0x20] =	vst v63  }
.Ltmp5:
0x43: {  	(pc) =	sbr.rel .LBB1_7-.Ltmp5, $4  }
0x44: {  	s12 =	sshll.u32 s12, $0xE;
	s11 =	sshll.u32 s11, $0x4  }
0x45: {  	s11 =	sand.u32 $0x7F0, s11;
	s12 =	sadd.s32 s3, s12  }
0x46: {  	s11 =	sadd.s32 s11, s12  }
0x47: {  	[hbm4b:s11+s6] =	stream.strided.scatter [tilespmem:s14], [sflag:$0x2], $0x4000, s7, s6, $0x38;
	[tilespmem:$0x10000] =	vst v63  }
.LBB1_8:
0x48: {  	_ =	sfence.sel $0x180000  }
0x49: {  	s2 =	simm.s32 $0x1;
	[bflag:$0x0] =	sbarrier.arrive $0xFFFF  }
0x4a: {  	s31 =	simm.s32 $0x2;
	[sflag:s2] =	ssyncpa.u1 $0x1  }
0x4b: {  	[sflag:s31] =	ssyncpa.u1 $0x1  }
0x4c: {  	p0 =	sne.s32 s1, $0x0;
	_ =	strace $0x90000047  }
0x4d: {  	s0 =	sadd.s32 @!p0 $0x100000, s0;
	[bflag:$0x2] =	sbarrier.arrive $0xFFFF  }
0x4e: {  	[sflag:s0] =	ssyncadd.tile.s32 @!p0 $0x1;
	_ =	shalt  }
.Lfunc_end1:
_tile_overlayer_lowered:
.L_overlay_start_2:
0x4f: {  	(tag) =	ssettag $0x2  }
0x50: {  	s0 =	rddreg [dreg:$0x0];
	s2 =	stileid.u32  }
0x51: {  	s1 =	rddreg [dreg:$0x1];
	p0 =	sne.s32 s2, $0x0  }
0x52: {  	s3 =	rddreg [dreg:$0x2];
	[bflag:$0x3] =	sbarrier.arrive $0xFFFF;
	s2 =	simm.s32 @!p0 $0x1C01  }
0x53: {  	[timem:s3], [sflag:s2] =	dma.local @!p0 [hbm:s0], s1  }
0x54: {  	s0 =	simm.s32 @!p0 $0x1  }
0x55: {  	_ =	swait.ge @!p0 [sflag:s0], s1  }
0x56: {  	s1 =	ssub.s32 @!p0 $0x0, s1;
	[sflag:s0] =	ssyncset.done @!p0 $0x0  }
0x57: {  	[sflag:s0] =	ssyncadd.s32 @!p0 s1  }
0x58: {  	[bflag:$0x3] =	sbarrier.arrive $0xFFFF  }
0x59: {  	_ =	shalt  }

</sc_bundles>
